<compile_context>
chip_gen: v7x
topology: tpu7x:2x2x1
jax: 0.10.2.dev20260603
libtpu: 0.0.44.dev20260713+nightly
codegen_flags: <defaults>
</compile_context>

<pallas_src>
import jax
import jax.numpy as jnp
from jax import lax
from jax.experimental import pallas as pl
from jax.experimental.pallas import tpu as pltpu
from jax.experimental.pallas import tpu_sc as plsc

NC = 2
NS = 16
LN = 16
C = 12800
K = 80
BE = 2000


def _linear_body(x_ref, wt_ref, b_ref, o_ref):
    o_ref[...] = (
        jnp.dot(x_ref[...], wt_ref[...], preferred_element_type=jnp.float32)
        + b_ref[...]
    )


def _linear(x, W, b, R=2000):
    N, D = x.shape
    return pl.pallas_call(
        _linear_body,
        grid=(N // R,),
        in_specs=[
            pl.BlockSpec((R, D), lambda i: (i, 0)),
            pl.BlockSpec((D, D), lambda i: (0, 0)),
            pl.BlockSpec((1, D), lambda i: (0, 0)),
        ],
        out_specs=pl.BlockSpec((R, D), lambda i: (i, 0)),
        out_shape=jax.ShapeDtypeStruct((N, D), jnp.float32),
    )(x, W.T, b.reshape(1, D))


def _update_body(nparts, x_ref, wt_ref, bs_ref, fm_ref, g_ref, bb_ref, *rest):
    aggs = rest[:nparts]
    degs = rest[nparts:2 * nparts]
    o_ref = rest[-1]
    x = x_ref[...]
    agg = aggs[0][...]
    for r in aggs[1:]:
        agg = agg + r[...]
    deg = degs[0][...]
    for r in degs[1:]:
        deg = deg + r[...]
    fm = fm_ref[...]
    d = jnp.maximum(deg, 1.0)
    a = (agg / d) * fm
    cc = (
        jnp.dot(x, wt_ref[...], preferred_element_type=jnp.float32)
        + bs_ref[...]
        + a
    )
    mu = jnp.mean(cc, axis=-1, keepdims=True)
    var = jnp.mean((cc - mu) ** 2, axis=-1, keepdims=True)
    cc = (cc - mu) * lax.rsqrt(var + 1e-5) * g_ref[...] + bb_ref[...]
    cc = cc + x
    cc = 1.0507009873554805 * jnp.where(
        cc > 0,
        cc,
        1.6732632423543772 * (jnp.exp(jnp.minimum(cc, 0.0)) - 1.0),
    )
    o_ref[...] = jnp.where(fm > 0.5, cc, x)


def _update(x, agg_parts, deg_parts, fm, Ws, bs, g, bb, R=2000):
    import functools
    N, D = x.shape
    nparts = len(agg_parts)
    row_spec = pl.BlockSpec((R, D), lambda i: (i, 0))
    col_spec = pl.BlockSpec((1, D), lambda i: (0, 0))
    deg_spec = pl.BlockSpec((R, 1), lambda i: (i, 0))
    return pl.pallas_call(
        functools.partial(_update_body, nparts),
        grid=(N // R,),
        in_specs=[
            row_spec,
            pl.BlockSpec((D, D), lambda i: (0, 0)),
            col_spec,
            col_spec,
            col_spec,
            col_spec,
        ]
        + [row_spec] * nparts
        + [deg_spec] * nparts,
        out_specs=row_spec,
        out_shape=jax.ShapeDtypeStruct((N, D), jnp.float32),
    )(
        x,
        Ws.T,
        bs.reshape(1, D),
        fm.reshape(1, D),
        g.reshape(1, D),
        bb.reshape(1, D),
        *[a for a in agg_parts],
        *[d.reshape(-1, 1) for d in deg_parts],
    )


def _sc_agg(h_a, h_b, src_p2c, dst_p2c, um1, src_c2p, dst_c2p, um2):
    E = src_p2c.shape[0]
    D = h_a.shape[1]
    n_chunks_b = 4

    def body(h_a_h, h_b_h, s1_h, d1_h, u1_h, s2_h, d2_h, u2_h,
             z2d_h, z1d_h, ones_h,
             agg_b_o, deg_b_o, agg_a0_o, deg_a0_o, agg_a1_o, deg_a1_o,
             src_v, dst_v, um_v, gidx, didx, gsm, dsm, rows_v, ones_v,
             zdeg_v, agg_sh, deg_sh, sem):
        c = lax.axis_index("c")
        s = lax.axis_index("s")
        rpt = C // NS
        row0 = s * rpt
        pltpu.sync_copy(ones_h, ones_v)

        def run_pass(src_h, dst_h, um_h, h_h, ebase, nblocks, lo):
            pltpu.sync_copy(z2d_h.at[pl.ds(0, rpt)],
                            agg_sh.at[pl.ds(row0, rpt)])
            pltpu.sync_copy(z1d_h.at[pl.ds(0, rpt)], zdeg_v)
            pltpu.sync_copy(zdeg_v, deg_sh.at[pl.ds(row0, rpt)])
            plsc.subcore_barrier()
            hi = lo + C

            def blk(b, _):
                eoff = ebase + b * BE
                pltpu.sync_copy(src_h.at[pl.ds(eoff, BE)], src_v)
                pltpu.sync_copy(dst_h.at[pl.ds(eoff, BE)], dst_v)
                pltpu.sync_copy(um_h.at[pl.ds(eoff, BE)], um_v)

                def vec(i, _):
                    sl = pl.ds(i * LN, LN)
                    s16 = src_v[sl]
                    d16 = dst_v[sl]
                    u16 = um_v[sl]
                    m = (d16 >= lo) & (d16 < hi) & (u16 > 0.5)
                    gidx[sl] = jnp.where(m, s16, 0)
                    didx[sl] = jnp.where(m, d16 - lo, C + (s16 & 511))
                    return 0

                lax.fori_loop(0, BE // LN, vec, 0)

                def drain(j, _):
                    o = j * K
                    for t in range(K // LN):
                        gsm[pl.ds(t * LN, LN)] = gidx[pl.ds(o + t * LN, LN)]
                        dsm[pl.ds(t * LN, LN)] = didx[pl.ds(o + t * LN, LN)]
                    pltpu.async_copy(h_h.at[gsm], rows_v, sem).wait()
                    pltpu.sync_copy(rows_v, agg_sh.at[dsm], add=True)
                    pltpu.sync_copy(ones_v, deg_sh.at[dsm], add=True)
                    return 0

                lax.fori_loop(0, BE // K, drain, 0)
                return 0

            lax.fori_loop(0, nblocks, blk, 0)
            plsc.subcore_barrier()

        epw = E // NS
        for p in range(2):
            lo = (2 * c + p) * C
            run_pass(s1_h, d1_h, u1_h, h_a_h, s * epw, E // NS // BE, lo)
            pltpu.sync_copy(agg_sh.at[pl.ds(row0, rpt)],
                            agg_b_o.at[pl.ds(lo + row0, rpt)])
            pltpu.sync_copy(deg_sh.at[pl.ds(row0, rpt)], zdeg_v)
            pltpu.sync_copy(zdeg_v, deg_b_o.at[pl.ds(lo + row0, rpt)])

        eh = E // 2
        run_pass(s2_h, d2_h, u2_h, h_b_h, c * eh + s * (eh // NS),
                 eh // NS // BE, 0)

        @pl.when(c == 0)
        def _():
            pltpu.sync_copy(agg_sh.at[pl.ds(row0, rpt)],
                            agg_a0_o.at[pl.ds(row0, rpt)])
            pltpu.sync_copy(deg_sh.at[pl.ds(row0, rpt)], zdeg_v)
            pltpu.sync_copy(zdeg_v, deg_a0_o.at[pl.ds(row0, rpt)])

        @pl.when(c == 1)
        def _():
            pltpu.sync_copy(agg_sh.at[pl.ds(row0, rpt)],
                            agg_a1_o.at[pl.ds(row0, rpt)])
            pltpu.sync_copy(deg_sh.at[pl.ds(row0, rpt)], zdeg_v)
            pltpu.sync_copy(zdeg_v, deg_a1_o.at[pl.ds(row0, rpt)])

    f32 = jnp.float32
    i32 = jnp.int32
    out_type = [
        jax.ShapeDtypeStruct((n_chunks_b * C, D), f32),
        jax.ShapeDtypeStruct((n_chunks_b * C,), f32),
        jax.ShapeDtypeStruct((C, D), f32),
        jax.ShapeDtypeStruct((C,), f32),
        jax.ShapeDtypeStruct((C, D), f32),
        jax.ShapeDtypeStruct((C,), f32),
    ]
    scratch_types = [
        pltpu.VMEM((BE,), i32),
        pltpu.VMEM((BE,), i32),
        pltpu.VMEM((BE,), f32),
        pltpu.VMEM((BE,), i32),
        pltpu.VMEM((BE,), i32),
        pltpu.VMEM((K,), i32),
        pltpu.VMEM((K,), i32),
        pltpu.VMEM((K, D), f32),
        pltpu.VMEM((K,), f32),
        pltpu.VMEM((C // NS,), f32),
        pltpu.VMEM_SHARED((C + 512, D), f32),
        pltpu.VMEM_SHARED((C + 512,), f32),
        pltpu.SemaphoreType.DMA,
    ]
    z2d = jnp.zeros((C // NS, D), f32)
    z1d = jnp.zeros((C // NS,), f32)
    ones = jnp.ones((K,), f32)
    fn = pl.kernel(
        body,
        out_type=out_type,
        mesh=plsc.VectorSubcoreMesh(core_axis_name="c", subcore_axis_name="s"),
        scratch_types=scratch_types,
    )
    return fn(h_a, h_b, src_p2c, dst_p2c, um1, src_c2p, dst_c2p, um2,
              z2d, z1d, ones)


def kernel(x_a, x_b, src_p2c, dst_p2c, src_c2p, dst_c2p, um_p2c, um_c2p,
           fm_a, fm_b, W_p2c, b_p2c, W_c2p, b_c2p, W_self_a, b_self_a,
           W_self_b, b_self_b, ln_g_a, ln_b_a, ln_g_b, ln_b_b):
    N_A = x_a.shape[0]
    N_B = x_b.shape[0]
    um1 = um_p2c.reshape(-1)
    um2 = um_c2p.reshape(-1)
    h_a = _linear(x_a, W_p2c, b_p2c)
    h_b = _linear(x_b, W_c2p, b_c2p)
    agg_b, deg_b, agg_a0, deg_a0, agg_a1, deg_a1 = _sc_agg(
        h_a, h_b, src_p2c, dst_p2c, um1, src_c2p, dst_c2p, um2)
    out_a = _update(
        x_a,
        [agg_a0[:N_A], agg_a1[:N_A]],
        [deg_a0[:N_A], deg_a1[:N_A]],
        fm_a, W_self_a, b_self_a, ln_g_a, ln_b_a,
    )
    out_b = _update(
        x_b,
        [agg_b[:N_B]],
        [deg_b[:N_B]],
        fm_b, W_self_b, b_self_b, ln_g_b, ln_b_b,
    )
    return (out_a, out_b)

# --- scband reference (transcript-rebuilt; emitter-appended) ---
"""Pipeline reference for scband-relational-graph-sagelayer-37752762531901 (READ-ONLY COPY).

The authoritative reference and input builder live on the scoring server;
editing this copy changes nothing except your own understanding.
"""

import jax, jax.numpy as jnp
import numpy as np

N_A, N_B, D, E = 10000, 50000, 128, 320000

def _linear(x, W, b):
    return x @ W.T + b

def _layernorm(x, g, b, eps=1e-5):
    mu = jnp.mean(x, axis=-1, keepdims=True)
    var = jnp.mean((x - mu) ** 2, axis=-1, keepdims=True)
    return (x - mu) / jnp.sqrt(var + eps) * g + b

def setup_inputs(seed: int = 0):
    key = jax.random.key(seed)
    ks = jax.random.split(key, 20)
    s = 1.0 / np.sqrt(D)
    x_a = jax.random.normal(ks[0], (N_A, D), dtype=jnp.float32)
    x_b = jax.random.normal(ks[1], (N_B, D), dtype=jnp.float32)
    src_p2c = jax.random.randint(ks[2], (E,), 0, N_A, dtype=jnp.int32)
    dst_p2c = jax.random.randint(ks[3], (E,), 0, N_B, dtype=jnp.int32)
    src_c2p = jax.random.randint(ks[4], (E,), 0, N_B, dtype=jnp.int32)
    dst_c2p = jax.random.randint(ks[5], (E,), 0, N_A, dtype=jnp.int32)
    um_p2c = (jax.random.uniform(ks[6], (E, 1)) < 0.5).astype(jnp.float32)
    um_c2p = (jax.random.uniform(ks[7], (E, 1)) < 0.5).astype(jnp.float32)
    fm_a = (jax.random.uniform(ks[8], (D,)) < 0.3).astype(jnp.float32)
    fm_b = (jax.random.uniform(ks[9], (D,)) < 0.3).astype(jnp.float32)
    fm_a = jnp.where(fm_a.sum() == 0, fm_a.at[0].set(1.0), fm_a)
    fm_b = jnp.where(fm_b.sum() == 0, fm_b.at[0].set(1.0), fm_b)
    W_p2c = jax.random.uniform(ks[10], (D, D), minval=-s, maxval=s, dtype=jnp.float32)
    b_p2c = jax.random.uniform(ks[11], (D,), minval=-s, maxval=s, dtype=jnp.float32)
    W_c2p = jax.random.uniform(ks[12], (D, D), minval=-s, maxval=s, dtype=jnp.float32)
    b_c2p = jax.random.uniform(ks[13], (D,), minval=-s, maxval=s, dtype=jnp.float32)
    W_self_a = jax.random.uniform(ks[14], (D, D), minval=-s, maxval=s, dtype=jnp.float32)
    b_self_a = jax.random.uniform(ks[15], (D,), minval=-s, maxval=s, dtype=jnp.float32)
    W_self_b = jax.random.uniform(ks[16], (D, D), minval=-s, maxval=s, dtype=jnp.float32)
    b_self_b = jax.random.uniform(ks[17], (D,), minval=-s, maxval=s, dtype=jnp.float32)
    ln_g_a = jnp.ones((D,), jnp.float32); ln_b_a = jnp.zeros((D,), jnp.float32)
    ln_g_b = jnp.ones((D,), jnp.float32); ln_b_b = jnp.zeros((D,), jnp.float32)
    return {"x_a": x_a, "x_b": x_b, "src_p2c": src_p2c, "dst_p2c": dst_p2c, "src_c2p": src_c2p, "dst_c2p": dst_c2p, "um_p2c": um_p2c, "um_c2p": um_c2p, "fm_a": fm_a, "fm_b": fm_b, "W_p2c": W_p2c, "b_p2c": b_p2c, "W_c2p": W_c2p, "b_c2p": b_c2p, "W_self_a": W_self_a, "b_self_a": b_self_a, "W_self_b": W_self_b, "b_self_b": b_self_b, "ln_g_a": ln_g_a, "ln_b_a": ln_b_a, "ln_g_b": ln_g_b, "ln_b_b": ln_b_b}

def reference(x_a, x_b, src_p2c, dst_p2c, src_c2p, dst_c2p, um_p2c, um_c2p, fm_a, fm_b, W_p2c, b_p2c, W_c2p, b_c2p, W_self_a, b_self_a, W_self_b, b_self_b, ln_g_a, ln_b_a, ln_g_b, ln_b_b):
    agg_a = jnp.zeros_like(x_a); agg_b = jnp.zeros_like(x_b)
    deg_a = jnp.zeros((x_a.shape[0],), jnp.float32)
    deg_b = jnp.zeros((x_b.shape[0],), jnp.float32)
    # PARENT_TO_CHILD: table_a -> table_b
    m1 = _linear(x_a[src_p2c], W_p2c, b_p2c) * um_p2c
    agg_b = agg_b.at[dst_p2c].add(m1)
    deg_b = deg_b.at[dst_p2c].add(um_p2c[:, 0])
    # CHILD_TO_PARENT: table_b -> table_a
    m2 = _linear(x_b[src_c2p], W_c2p, b_c2p) * um_c2p
    agg_a = agg_a.at[dst_c2p].add(m2)
    deg_a = deg_a.at[dst_c2p].add(um_c2p[:, 0])
    def _update(x, agg, deg, fm, Ws, bs, g, bb):
        d = jnp.maximum(deg, 1.0)[:, None]
        a = (agg / d) * fm
        c = _linear(x, Ws, bs) + a
        c = _layernorm(c, g, bb)
        c = c + x
        c = jax.nn.selu(c)
        mb = fm > 0.5
        return jnp.where(mb[None, :], c, x)
    out_a = _update(x_a, agg_a, deg_a, fm_a, W_self_a, b_self_a, ln_g_a, ln_b_a)
    out_b = _update(x_b, agg_b, deg_b, fm_b, W_self_b, b_self_b, ln_g_b, ln_b_b)
    return (out_a, out_b)

if __name__ == "__main__":
    import jax
    _d = setup_inputs()
    print(jax.jit(kernel)(*tuple(_d.values())))

</pallas_src>

<mosaic_0001>
#map = affine_map<(d0, d1) -> (0, 0)>
#map1 = affine_map<(d0, d1) -> (0)>
module attributes {stable_mosaic.version = 14 : i64} {
  func.func @body(%arg0: i32, %arg1: i32, %arg2: memref<10000x128xf32, #tpu.memory_space<hbm>>, %arg3: memref<50000x128xf32, #tpu.memory_space<hbm>>, %arg4: memref<320000xi32, #tpu.memory_space<hbm>>, %arg5: memref<320000xi32, #tpu.memory_space<hbm>>, %arg6: memref<320000xf32, #tpu.memory_space<hbm>>, %arg7: memref<320000xi32, #tpu.memory_space<hbm>>, %arg8: memref<320000xi32, #tpu.memory_space<hbm>>, %arg9: memref<320000xf32, #tpu.memory_space<hbm>>, %arg10: memref<800x128xf32, #tpu.memory_space<hbm>>, %arg11: memref<800xf32, #tpu.memory_space<hbm>>, %arg12: memref<80xf32, #tpu.memory_space<hbm>>, %arg13: memref<51200x128xf32, #tpu.memory_space<hbm>>, %arg14: memref<51200xf32, #tpu.memory_space<hbm>>, %arg15: memref<12800x128xf32, #tpu.memory_space<hbm>>, %arg16: memref<12800xf32, #tpu.memory_space<hbm>>, %arg17: memref<12800x128xf32, #tpu.memory_space<hbm>>, %arg18: memref<12800xf32, #tpu.memory_space<hbm>>, %arg19: memref<2000xi32, #tpu.memory_space<vmem>>, %arg20: memref<2000xi32, #tpu.memory_space<vmem>>, %arg21: memref<2000xf32, #tpu.memory_space<vmem>>, %arg22: memref<2000xi32, #tpu.memory_space<vmem>>, %arg23: memref<2000xi32, #tpu.memory_space<vmem>>, %arg24: memref<80xi32, #tpu.memory_space<vmem>>, %arg25: memref<80xi32, #tpu.memory_space<vmem>>, %arg26: memref<80x128xf32, #tpu.memory_space<vmem>>, %arg27: memref<80xf32, #tpu.memory_space<vmem>>, %arg28: memref<800xf32, #tpu.memory_space<vmem>>, %arg29: memref<13312x128xf32, #tpu.memory_space<vmem_shared>>, %arg30: memref<13312xf32, #tpu.memory_space<vmem_shared>>, %arg31: memref<!tpu.dma_semaphore, #tpu.memory_space<semaphore_mem>>) attributes {dimension_semantics = [#tpu.dimension_semantics<core_parallel>, #tpu.dimension_semantics<subcore_parallel>], iteration_bounds = array<i64: 2, 16>, scalar_prefetch = 0 : i64, scratch_operands = 13 : i64, tpu.core_type = #tpu.core_type<sc_vector_subcore>, window_params = [{transform_indices = #map}, {transform_indices = #map}, {transform_indices = #map1}, {transform_indices = #map1}, {transform_indices = #map1}, {transform_indices = #map1}, {transform_indices = #map1}, {transform_indices = #map1}, {transform_indices = #map}, {transform_indices = #map1}, {transform_indices = #map1}, {transform_indices = #map}, {transform_indices = #map1}, {transform_indices = #map}, {transform_indices = #map1}, {transform_indices = #map}, {transform_indices = #map1}]} {
    %mul3A = arith.constant 800 : i32
    %mul3A_0 = arith.muli %arg1, %mul3A : i32
    "tpu.region"() ({
      %run_scoped3A = tpu.sem_alloc : memref<!tpu.dma_semaphore, #tpu.memory_space<semaphore_mem>>
      tpu.enqueue_dma source(%arg12 : memref<80xf32, #tpu.memory_space<hbm>>) target(%arg27 : memref<80xf32, #tpu.memory_space<vmem>>) target_semaphore(%run_scoped3A : memref<!tpu.dma_semaphore, #tpu.memory_space<semaphore_mem>>)
      tpu.wait_dma2 semaphore(%run_scoped3A : memref<!tpu.dma_semaphore, #tpu.memory_space<semaphore_mem>>) src(%arg12 : memref<80xf32, #tpu.memory_space<hbm>>) dst(%arg27 : memref<80xf32, #tpu.memory_space<vmem>>)
      tpu.yield
    }) : () -> ()
    %mul3A_1 = arith.constant 2 : i32
    %mul3A_2 = arith.muli %mul3A_1, %arg0 : i32
    %add3A = arith.constant 0 : i32
    %add3A_3 = arith.addi %mul3A_2, %add3A : i32
    %mul3A_4 = arith.constant 12800 : i32
    %mul3A_5 = arith.muli %add3A_3, %mul3A_4 : i32
    %mul3A_6 = arith.constant 20000 : i32
    %mul3A_7 = arith.muli %arg1, %mul3A_6 : i32
    "tpu.region"() ({
      %run_scoped3A = tpu.sem_alloc : memref<!tpu.dma_semaphore, #tpu.memory_space<semaphore_mem>>
      %dma_start3A = arith.constant 0 : i32
      %dma_start3A_61 = tpu.memref_slice %arg29[%mul3A_0, %dma_start3A] : memref<13312x128xf32, #tpu.memory_space<vmem_shared>> -> memref<800x128xf32, #tpu.memory_space<vmem_shared>>
      %dma_start3A_62 = arith.constant 0 : i32
      %dma_start3A_63 = arith.constant 0 : i32
      %dma_start3A_64 = tpu.memref_slice %arg10[%dma_start3A_62, %dma_start3A_63] : memref<800x128xf32, #tpu.memory_space<hbm>> -> memref<800x128xf32, #tpu.memory_space<hbm>>
      tpu.enqueue_dma source(%dma_start3A_64 : memref<800x128xf32, #tpu.memory_space<hbm>>) target(%dma_start3A_61 : memref<800x128xf32, #tpu.memory_space<vmem_shared>>) target_semaphore(%run_scoped3A : memref<!tpu.dma_semaphore, #tpu.memory_space<semaphore_mem>>)
      %dma_wait3A = arith.constant 0 : i32
      %dma_wait3A_65 = tpu.memref_slice %arg29[%mul3A_0, %dma_wait3A] : memref<13312x128xf32, #tpu.memory_space<vmem_shared>> -> memref<800x128xf32, #tpu.memory_space<vmem_shared>>
      %dma_wait3A_66 = arith.constant 0 : i32
      %dma_wait3A_67 = arith.constant 0 : i32
      %dma_wait3A_68 = tpu.memref_slice %arg10[%dma_wait3A_66, %dma_wait3A_67] : memref<800x128xf32, #tpu.memory_space<hbm>> -> memref<800x128xf32, #tpu.memory_space<hbm>>
      tpu.wait_dma2 semaphore(%run_scoped3A : memref<!tpu.dma_semaphore, #tpu.memory_space<semaphore_mem>>) src(%dma_wait3A_68 : memref<800x128xf32, #tpu.memory_space<hbm>>) dst(%dma_wait3A_65 : memref<800x128xf32, #tpu.memory_space<vmem_shared>>)
      tpu.yield
    }) : () -> ()
    "tpu.region"() ({
      %run_scoped3A = tpu.sem_alloc : memref<!tpu.dma_semaphore, #tpu.memory_space<semaphore_mem>>
      %dma_start3A = arith.constant 0 : i32
      %dma_start3A_61 = tpu.memref_slice %arg11[%dma_start3A] : memref<800xf32, #tpu.memory_space<hbm>> -> memref<800xf32, #tpu.memory_space<hbm>>
      %dma_start3A_62 = arith.constant 0 : i32
      %dma_start3A_63 = tpu.memref_slice %arg11[%dma_start3A_62] : memref<800xf32, #tpu.memory_space<hbm>> -> memref<800xf32, #tpu.memory_space<hbm>>
      tpu.enqueue_dma source(%dma_start3A_63 : memref<800xf32, #tpu.memory_space<hbm>>) target(%arg28 : memref<800xf32, #tpu.memory_space<vmem>>) target_semaphore(%run_scoped3A : memref<!tpu.dma_semaphore, #tpu.memory_space<semaphore_mem>>)
      %dma_wait3A = arith.constant 0 : i32
      %dma_wait3A_64 = tpu.memref_slice %arg11[%dma_wait3A] : memref<800xf32, #tpu.memory_space<hbm>> -> memref<800xf32, #tpu.memory_space<hbm>>
      %dma_wait3A_65 = arith.constant 0 : i32
      %dma_wait3A_66 = tpu.memref_slice %arg11[%dma_wait3A_65] : memref<800xf32, #tpu.memory_space<hbm>> -> memref<800xf32, #tpu.memory_space<hbm>>
      tpu.wait_dma2 semaphore(%run_scoped3A : memref<!tpu.dma_semaphore, #tpu.memory_space<semaphore_mem>>) src(%dma_wait3A_66 : memref<800xf32, #tpu.memory_space<hbm>>) dst(%arg28 : memref<800xf32, #tpu.memory_space<vmem>>)
      tpu.yield
    }) : () -> ()
    "tpu.region"() ({
      %run_scoped3A = tpu.sem_alloc : memref<!tpu.dma_semaphore, #tpu.memory_space<semaphore_mem>>
      %dma_start3A = tpu.memref_slice %arg30[%mul3A_0] : memref<13312xf32, #tpu.memory_space<vmem_shared>> -> memref<800xf32, #tpu.memory_space<vmem_shared>>
      %dma_start3A_61 = tpu.memref_slice %arg30[%mul3A_0] : memref<13312xf32, #tpu.memory_space<vmem_shared>> -> memref<800xf32, #tpu.memory_space<vmem_shared>>
      tpu.enqueue_dma source(%arg28 : memref<800xf32, #tpu.memory_space<vmem>>) target(%dma_start3A_61 : memref<800xf32, #tpu.memory_space<vmem_shared>>) target_semaphore(%run_scoped3A : memref<!tpu.dma_semaphore, #tpu.memory_space<semaphore_mem>>)
      %dma_wait3A = tpu.memref_slice %arg30[%mul3A_0] : memref<13312xf32, #tpu.memory_space<vmem_shared>> -> memref<800xf32, #tpu.memory_space<vmem_shared>>
      %dma_wait3A_62 = tpu.memref_slice %arg30[%mul3A_0] : memref<13312xf32, #tpu.memory_space<vmem_shared>> -> memref<800xf32, #tpu.memory_space<vmem_shared>>
      tpu.wait_dma2 semaphore(%run_scoped3A : memref<!tpu.dma_semaphore, #tpu.memory_space<semaphore_mem>>) src(%arg28 : memref<800xf32, #tpu.memory_space<vmem>>) dst(%dma_wait3A_62 : memref<800xf32, #tpu.memory_space<vmem_shared>>)
      tpu.yield
    }) : () -> ()
    %barrier3A = arith.constant 0 : index
    tpu.barrier barrier_id(%barrier3A)
    %add3A_8 = arith.constant 12800 : i32
    %add3A_9 = arith.addi %mul3A_5, %add3A_8 : i32
    %scan3A = arith.constant 0 : i32
    %scan3A_10 = arith.constant 0 : i32
    %scan3A_11 = arith.constant 10 : i32
    %scan3A_12 = arith.addi %scan3A_10, %scan3A_11 : i32
    %scan3A_13 = arith.constant 1 : i32
    %scan3A_14 = scf.for %scan3A_61 = %scan3A_10 to %scan3A_12 step %scan3A_13 iter_args(%scan3A_62 = %scan3A) -> (i32)  : i32 {
      %mul3A_63 = arith.constant 2000 : i32
      %mul3A_64 = arith.muli %scan3A_61, %mul3A_63 : i32
      %add3A_65 = arith.addi %mul3A_7, %mul3A_64 : i32
      "tpu.region"() ({
        %run_scoped3A = tpu.sem_alloc : memref<!tpu.dma_semaphore, #tpu.memory_space<semaphore_mem>>
        %dma_start3A = tpu.memref_slice %arg4[%add3A_65] : memref<320000xi32, #tpu.memory_space<hbm>> -> memref<2000xi32, #tpu.memory_space<hbm>>
        %dma_start3A_81 = tpu.memref_slice %arg4[%add3A_65] : memref<320000xi32, #tpu.memory_space<hbm>> -> memref<2000xi32, #tpu.memory_space<hbm>>
        tpu.enqueue_dma source(%dma_start3A_81 : memref<2000xi32, #tpu.memory_space<hbm>>) target(%arg19 : memref<2000xi32, #tpu.memory_space<vmem>>) target_semaphore(%run_scoped3A : memref<!tpu.dma_semaphore, #tpu.memory_space<semaphore_mem>>)
        %dma_wait3A = tpu.memref_slice %arg4[%add3A_65] : memref<320000xi32, #tpu.memory_space<hbm>> -> memref<2000xi32, #tpu.memory_space<hbm>>
        %dma_wait3A_82 = tpu.memref_slice %arg4[%add3A_65] : memref<320000xi32, #tpu.memory_space<hbm>> -> memref<2000xi32, #tpu.memory_space<hbm>>
        tpu.wait_dma2 semaphore(%run_scoped3A : memref<!tpu.dma_semaphore, #tpu.memory_space<semaphore_mem>>) src(%dma_wait3A_82 : memref<2000xi32, #tpu.memory_space<hbm>>) dst(%arg19 : memref<2000xi32, #tpu.memory_space<vmem>>)
        tpu.yield
      }) : () -> ()
      "tpu.region"() ({
        %run_scoped3A = tpu.sem_alloc : memref<!tpu.dma_semaphore, #tpu.memory_space<semaphore_mem>>
        %dma_start3A = tpu.memref_slice %arg5[%add3A_65] : memref<320000xi32, #tpu.memory_space<hbm>> -> memref<2000xi32, #tpu.memory_space<hbm>>
        %dma_start3A_81 = tpu.memref_slice %arg5[%add3A_65] : memref<320000xi32, #tpu.memory_space<hbm>> -> memref<2000xi32, #tpu.memory_space<hbm>>
        tpu.enqueue_dma source(%dma_start3A_81 : memref<2000xi32, #tpu.memory_space<hbm>>) target(%arg20 : memref<2000xi32, #tpu.memory_space<vmem>>) target_semaphore(%run_scoped3A : memref<!tpu.dma_semaphore, #tpu.memory_space<semaphore_mem>>)
        %dma_wait3A = tpu.memref_slice %arg5[%add3A_65] : memref<320000xi32, #tpu.memory_space<hbm>> -> memref<2000xi32, #tpu.memory_space<hbm>>
        %dma_wait3A_82 = tpu.memref_slice %arg5[%add3A_65] : memref<320000xi32, #tpu.memory_space<hbm>> -> memref<2000xi32, #tpu.memory_space<hbm>>
        tpu.wait_dma2 semaphore(%run_scoped3A : memref<!tpu.dma_semaphore, #tpu.memory_space<semaphore_mem>>) src(%dma_wait3A_82 : memref<2000xi32, #tpu.memory_space<hbm>>) dst(%arg20 : memref<2000xi32, #tpu.memory_space<vmem>>)
        tpu.yield
      }) : () -> ()
      "tpu.region"() ({
        %run_scoped3A = tpu.sem_alloc : memref<!tpu.dma_semaphore, #tpu.memory_space<semaphore_mem>>
        %dma_start3A = tpu.memref_slice %arg6[%add3A_65] : memref<320000xf32, #tpu.memory_space<hbm>> -> memref<2000xf32, #tpu.memory_space<hbm>>
        %dma_start3A_81 = tpu.memref_slice %arg6[%add3A_65] : memref<320000xf32, #tpu.memory_space<hbm>> -> memref<2000xf32, #tpu.memory_space<hbm>>
        tpu.enqueue_dma source(%dma_start3A_81 : memref<2000xf32, #tpu.memory_space<hbm>>) target(%arg21 : memref<2000xf32, #tpu.memory_space<vmem>>) target_semaphore(%run_scoped3A : memref<!tpu.dma_semaphore, #tpu.memory_space<semaphore_mem>>)
        %dma_wait3A = tpu.memref_slice %arg6[%add3A_65] : memref<320000xf32, #tpu.memory_space<hbm>> -> memref<2000xf32, #tpu.memory_space<hbm>>
        %dma_wait3A_82 = tpu.memref_slice %arg6[%add3A_65] : memref<320000xf32, #tpu.memory_space<hbm>> -> memref<2000xf32, #tpu.memory_space<hbm>>
        tpu.wait_dma2 semaphore(%run_scoped3A : memref<!tpu.dma_semaphore, #tpu.memory_space<semaphore_mem>>) src(%dma_wait3A_82 : memref<2000xf32, #tpu.memory_space<hbm>>) dst(%arg21 : memref<2000xf32, #tpu.memory_space<vmem>>)
        tpu.yield
      }) : () -> ()
      %scan3A_66 = arith.constant 0 : i32
      %scan3A_67 = arith.constant 0 : i32
      %scan3A_68 = arith.constant 125 : i32
      %scan3A_69 = arith.addi %scan3A_67, %scan3A_68 : i32
      %scan3A_70 = arith.constant 1 : i32
      %scan3A_71 = scf.for %scan3A_81 = %scan3A_67 to %scan3A_69 step %scan3A_70 iter_args(%scan3A_82 = %scan3A_66) -> (i32)  : i32 {
        %mul3A_83 = arith.constant 16 : i32
        %mul3A_84 = arith.muli %scan3A_81, %mul3A_83 : i32
        %get3A = arith.index_cast %mul3A_84 : i32 to index
        %get3A_85 = tpu.vector_load %arg19[%get3A] {strides = array<i32>} : memref<2000xi32, #tpu.memory_space<vmem>>, vector<16xi32>,
        %get3A_86 = vector.shape_cast %get3A_85 : vector<16xi32> to vector<16xi32>
        %get3A_87 = arith.index_cast %mul3A_84 : i32 to index
        %get3A_88 = tpu.vector_load %arg20[%get3A_87] {strides = array<i32>} : memref<2000xi32, #tpu.memory_space<vmem>>, vector<16xi32>,
        %get3A_89 = vector.shape_cast %get3A_88 : vector<16xi32> to vector<16xi32>
        %get3A_90 = arith.index_cast %mul3A_84 : i32 to index
        %get3A_91 = tpu.vector_load %arg21[%get3A_90] {strides = array<i32>} : memref<2000xf32, #tpu.memory_space<vmem>>, vector<16xf32>,
        %get3A_92 = vector.shape_cast %get3A_91 : vector<16xf32> to vector<16xf32>
        %ge3A = vector.broadcast %mul3A_5 : i32 to vector<16xi32>
        %ge3A_93 = arith.cmpi sge, %get3A_89, %ge3A : vector<16xi32>
        %lt3A = vector.broadcast %add3A_9 : i32 to vector<16xi32>
        %lt3A_94 = arith.cmpi slt, %get3A_89, %lt3A : vector<16xi32>
        %and3A = arith.andi %ge3A_93, %lt3A_94 : vector<16xi1>
        %gt3A = arith.constant 5.000000e-01 : f32
        %gt3A_95 = vector.broadcast %gt3A : f32 to vector<16xf32>
        %gt3A_96 = arith.cmpf ogt, %get3A_92, %gt3A_95 : vector<16xf32>
        %and3A_97 = arith.andi %and3A, %gt3A_96 : vector<16xi1>
        %jit3A = arith.constant 0 : i32
        %broadcast_in_dim3A = vector.broadcast %jit3A : i32 to vector<16xi32>
        %select_n3A = arith.select %and3A_97, %get3A_86, %broadcast_in_dim3A : vector<16xi1>, vector<16xi32>
        %swap3A = arith.index_cast %mul3A_84 : i32 to index
        %swap3A_98 = tpu.vector_load %arg22[%swap3A] {strides = array<i32>} : memref<2000xi32, #tpu.memory_space<vmem>>, vector<16xi32>,
        %swap3A_99 = vector.shape_cast %swap3A_98 : vector<16xi32> to vector<16xi32>
        %swap3A_100 = vector.shape_cast %select_n3A : vector<16xi32> to vector<16xi32>
        tpu.vector_store %arg22[%swap3A], %swap3A_100 {strides = array<i32>} : memref<2000xi32, #tpu.memory_space<vmem>>, vector<16xi32>,
        %sub3A = vector.broadcast %mul3A_5 : i32 to vector<16xi32>
        %sub3A_101 = arith.subi %get3A_89, %sub3A : vector<16xi32>
        %and3A_102 = arith.constant 511 : i32
        %and3A_103 = vector.broadcast %and3A_102 : i32 to vector<16xi32>
        %and3A_104 = arith.andi %get3A_86, %and3A_103 : vector<16xi32>
        %add3A_105 = arith.constant 12800 : i32
        %add3A_106 = vector.broadcast %add3A_105 : i32 to vector<16xi32>
        %add3A_107 = arith.addi %add3A_106, %and3A_104 : vector<16xi32>
        %select_n3A_108 = arith.select %and3A_97, %sub3A_101, %add3A_107 : vector<16xi1>, vector<16xi32>
        %swap3A_109 = arith.index_cast %mul3A_84 : i32 to index
        %swap3A_110 = tpu.vector_load %arg23[%swap3A_109] {strides = array<i32>} : memref<2000xi32, #tpu.memory_space<vmem>>, vector<16xi32>,
        %swap3A_111 = vector.shape_cast %swap3A_110 : vector<16xi32> to vector<16xi32>
        %swap3A_112 = vector.shape_cast %select_n3A_108 : vector<16xi32> to vector<16xi32>
        tpu.vector_store %arg23[%swap3A_109], %swap3A_112 {strides = array<i32>} : memref<2000xi32, #tpu.memory_space<vmem>>, vector<16xi32>,
        %scan3A_113 = arith.constant 0 : i32
        scf.yield %scan3A_113 : i32
      }
      %scan3A_72 = arith.constant 125 : i32
      %scan3A_73 = arith.constant 0 : i32
      %scan3A_74 = arith.constant 0 : i32
      %scan3A_75 = arith.constant 25 : i32
      %scan3A_76 = arith.addi %scan3A_74, %scan3A_75 : i32
      %scan3A_77 = arith.constant 1 : i32
      %scan3A_78 = scf.for %scan3A_81 = %scan3A_74 to %scan3A_76 step %scan3A_77 iter_args(%scan3A_82 = %scan3A_73) -> (i32)  : i32 {
        %mul3A_83 = arith.constant 80 : i32
        %mul3A_84 = arith.muli %scan3A_81, %mul3A_83 : i32
        %add3A_85 = arith.constant 0 : i32
        %add3A_86 = arith.addi %mul3A_84, %add3A_85 : i32
        %get3A = arith.index_cast %add3A_86 : i32 to index
        %get3A_87 = tpu.vector_load %arg22[%get3A] {strides = array<i32>} : memref<2000xi32, #tpu.memory_space<vmem>>, vector<16xi32>,
        %get3A_88 = vector.shape_cast %get3A_87 : vector<16xi32> to vector<16xi32>
        %swap3A = arith.constant 0 : index
        %swap3A_89 = tpu.vector_load %arg24[%swap3A] {strides = array<i32>} : memref<80xi32, #tpu.memory_space<vmem>>, vector<16xi32>,
        %swap3A_90 = vector.shape_cast %swap3A_89 : vector<16xi32> to vector<16xi32>
        %swap3A_91 = vector.shape_cast %get3A_88 : vector<16xi32> to vector<16xi32>
        tpu.vector_store %arg24[%swap3A], %swap3A_91 {strides = array<i32>} : memref<80xi32, #tpu.memory_space<vmem>>, vector<16xi32>,
        %add3A_92 = arith.constant 0 : i32
        %add3A_93 = arith.addi %mul3A_84, %add3A_92 : i32
        %get3A_94 = arith.index_cast %add3A_93 : i32 to index
        %get3A_95 = tpu.vector_load %arg23[%get3A_94] {strides = array<i32>} : memref<2000xi32, #tpu.memory_space<vmem>>, vector<16xi32>,
        %get3A_96 = vector.shape_cast %get3A_95 : vector<16xi32> to vector<16xi32>
        %swap3A_97 = arith.constant 0 : index
        %swap3A_98 = tpu.vector_load %arg25[%swap3A_97] {strides = array<i32>} : memref<80xi32, #tpu.memory_space<vmem>>, vector<16xi32>,
        %swap3A_99 = vector.shape_cast %swap3A_98 : vector<16xi32> to vector<16xi32>
        %swap3A_100 = vector.shape_cast %get3A_96 : vector<16xi32> to vector<16xi32>
        tpu.vector_store %arg25[%swap3A_97], %swap3A_100 {strides = array<i32>} : memref<80xi32, #tpu.memory_space<vmem>>, vector<16xi32>,
        %add3A_101 = arith.constant 16 : i32
        %add3A_102 = arith.addi %mul3A_84, %add3A_101 : i32
        %get3A_103 = arith.index_cast %add3A_102 : i32 to index
        %get3A_104 = tpu.vector_load %arg22[%get3A_103] {strides = array<i32>} : memref<2000xi32, #tpu.memory_space<vmem>>, vector<16xi32>,
        %get3A_105 = vector.shape_cast %get3A_104 : vector<16xi32> to vector<16xi32>
        %swap3A_106 = arith.constant 16 : index
        %swap3A_107 = tpu.vector_load %arg24[%swap3A_106] {strides = array<i32>} : memref<80xi32, #tpu.memory_space<vmem>>, vector<16xi32>,
        %swap3A_108 = vector.shape_cast %swap3A_107 : vector<16xi32> to vector<16xi32>
        %swap3A_109 = vector.shape_cast %get3A_105 : vector<16xi32> to vector<16xi32>
        tpu.vector_store %arg24[%swap3A_106], %swap3A_109 {strides = array<i32>} : memref<80xi32, #tpu.memory_space<vmem>>, vector<16xi32>,
        %add3A_110 = arith.constant 16 : i32
        %add3A_111 = arith.addi %mul3A_84, %add3A_110 : i32
        %get3A_112 = arith.index_cast %add3A_111 : i32 to index
        %get3A_113 = tpu.vector_load %arg23[%get3A_112] {strides = array<i32>} : memref<2000xi32, #tpu.memory_space<vmem>>, vector<16xi32>,
        %get3A_114 = vector.shape_cast %get3A_113 : vector<16xi32> to vector<16xi32>
        %swap3A_115 = arith.constant 16 : index
        %swap3A_116 = tpu.vector_load %arg25[%swap3A_115] {strides = array<i32>} : memref<80xi32, #tpu.memory_space<vmem>>, vector<16xi32>,
        %swap3A_117 = vector.shape_cast %swap3A_116 : vector<16xi32> to vector<16xi32>
        %swap3A_118 = vector.shape_cast %get3A_114 : vector<16xi32> to vector<16xi32>
        tpu.vector_store %arg25[%swap3A_115], %swap3A_118 {strides = array<i32>} : memref<80xi32, #tpu.memory_space<vmem>>, vector<16xi32>,
        %add3A_119 = arith.constant 32 : i32
        %add3A_120 = arith.addi %mul3A_84, %add3A_119 : i32
        %get3A_121 = arith.index_cast %add3A_120 : i32 to index
        %get3A_122 = tpu.vector_load %arg22[%get3A_121] {strides = array<i32>} : memref<2000xi32, #tpu.memory_space<vmem>>, vector<16xi32>,
        %get3A_123 = vector.shape_cast %get3A_122 : vector<16xi32> to vector<16xi32>
        %swap3A_124 = arith.constant 32 : index
        %swap3A_125 = tpu.vector_load %arg24[%swap3A_124] {strides = array<i32>} : memref<80xi32, #tpu.memory_space<vmem>>, vector<16xi32>,
        %swap3A_126 = vector.shape_cast %swap3A_125 : vector<16xi32> to vector<16xi32>
        %swap3A_127 = vector.shape_cast %get3A_123 : vector<16xi32> to vector<16xi32>
        tpu.vector_store %arg24[%swap3A_124], %swap3A_127 {strides = array<i32>} : memref<80xi32, #tpu.memory_space<vmem>>, vector<16xi32>,
        %add3A_128 = arith.constant 32 : i32
        %add3A_129 = arith.addi %mul3A_84, %add3A_128 : i32
        %get3A_130 = arith.index_cast %add3A_129 : i32 to index
        %get3A_131 = tpu.vector_load %arg23[%get3A_130] {strides = array<i32>} : memref<2000xi32, #tpu.memory_space<vmem>>, vector<16xi32>,
        %get3A_132 = vector.shape_cast %get3A_131 : vector<16xi32> to vector<16xi32>
        %swap3A_133 = arith.constant 32 : index
        %swap3A_134 = tpu.vector_load %arg25[%swap3A_133] {strides = array<i32>} : memref<80xi32, #tpu.memory_space<vmem>>, vector<16xi32>,
        %swap3A_135 = vector.shape_cast %swap3A_134 : vector<16xi32> to vector<16xi32>
        %swap3A_136 = vector.shape_cast %get3A_132 : vector<16xi32> to vector<16xi32>
        tpu.vector_store %arg25[%swap3A_133], %swap3A_136 {strides = array<i32>} : memref<80xi32, #tpu.memory_space<vmem>>, vector<16xi32>,
        %add3A_137 = arith.constant 48 : i32
        %add3A_138 = arith.addi %mul3A_84, %add3A_137 : i32
        %get3A_139 = arith.index_cast %add3A_138 : i32 to index
        %get3A_140 = tpu.vector_load %arg22[%get3A_139] {strides = array<i32>} : memref<2000xi32, #tpu.memory_space<vmem>>, vector<16xi32>,
        %get3A_141 = vector.shape_cast %get3A_140 : vector<16xi32> to vector<16xi32>
        %swap3A_142 = arith.constant 48 : index
        %swap3A_143 = tpu.vector_load %arg24[%swap3A_142] {strides = array<i32>} : memref<80xi32, #tpu.memory_space<vmem>>, vector<16xi32>,
        %swap3A_144 = vector.shape_cast %swap3A_143 : vector<16xi32> to vector<16xi32>
        %swap3A_145 = vector.shape_cast %get3A_141 : vector<16xi32> to vector<16xi32>
        tpu.vector_store %arg24[%swap3A_142], %swap3A_145 {strides = array<i32>} : memref<80xi32, #tpu.memory_space<vmem>>, vector<16xi32>,
        %add3A_146 = arith.constant 48 : i32
        %add3A_147 = arith.addi %mul3A_84, %add3A_146 : i32
        %get3A_148 = arith.index_cast %add3A_147 : i32 to index
        %get3A_149 = tpu.vector_load %arg23[%get3A_148] {strides = array<i32>} : memref<2000xi32, #tpu.memory_space<vmem>>, vector<16xi32>,
        %get3A_150 = vector.shape_cast %get3A_149 : vector<16xi32> to vector<16xi32>
        %swap3A_151 = arith.constant 48 : index
        %swap3A_152 = tpu.vector_load %arg25[%swap3A_151] {strides = array<i32>} : memref<80xi32, #tpu.memory_space<vmem>>, vector<16xi32>,
        %swap3A_153 = vector.shape_cast %swap3A_152 : vector<16xi32> to vector<16xi32>
        %swap3A_154 = vector.shape_cast %get3A_150 : vector<16xi32> to vector<16xi32>
        tpu.vector_store %arg25[%swap3A_151], %swap3A_154 {strides = array<i32>} : memref<80xi32, #tpu.memory_space<vmem>>, vector<16xi32>,
        %add3A_155 = arith.constant 64 : i32
        %add3A_156 = arith.addi %mul3A_84, %add3A_155 : i32
        %get3A_157 = arith.index_cast %add3A_156 : i32 to index
        %get3A_158 = tpu.vector_load %arg22[%get3A_157] {strides = array<i32>} : memref<2000xi32, #tpu.memory_space<vmem>>, vector<16xi32>,
        %get3A_159 = vector.shape_cast %get3A_158 : vector<16xi32> to vector<16xi32>
        %swap3A_160 = arith.constant 64 : index
        %swap3A_161 = tpu.vector_load %arg24[%swap3A_160] {strides = array<i32>} : memref<80xi32, #tpu.memory_space<vmem>>, vector<16xi32>,
        %swap3A_162 = vector.shape_cast %swap3A_161 : vector<16xi32> to vector<16xi32>
        %swap3A_163 = vector.shape_cast %get3A_159 : vector<16xi32> to vector<16xi32>
        tpu.vector_store %arg24[%swap3A_160], %swap3A_163 {strides = array<i32>} : memref<80xi32, #tpu.memory_space<vmem>>, vector<16xi32>,
        %add3A_164 = arith.constant 64 : i32
        %add3A_165 = arith.addi %mul3A_84, %add3A_164 : i32
        %get3A_166 = arith.index_cast %add3A_165 : i32 to index
        %get3A_167 = tpu.vector_load %arg23[%get3A_166] {strides = array<i32>} : memref<2000xi32, #tpu.memory_space<vmem>>, vector<16xi32>,
        %get3A_168 = vector.shape_cast %get3A_167 : vector<16xi32> to vector<16xi32>
        %swap3A_169 = arith.constant 64 : index
        %swap3A_170 = tpu.vector_load %arg25[%swap3A_169] {strides = array<i32>} : memref<80xi32, #tpu.memory_space<vmem>>, vector<16xi32>,
        %swap3A_171 = vector.shape_cast %swap3A_170 : vector<16xi32> to vector<16xi32>
        %swap3A_172 = vector.shape_cast %get3A_168 : vector<16xi32> to vector<16xi32>
        tpu.vector_store %arg25[%swap3A_169], %swap3A_172 {strides = array<i32>} : memref<80xi32, #tpu.memory_space<vmem>>, vector<16xi32>,
        %dma_start3A = arith.constant 0 : i32
        %dma_start3A_173 = arith.constant 0 : i32
        %dma_start3A_174 = tpu.memref_slice %arg2[%dma_start3A, %dma_start3A_173] : memref<10000x128xf32, #tpu.memory_space<hbm>> -> memref<10000x128xf32, #tpu.memory_space<hbm>>
        tpu.enqueue_indirect_dma source(%dma_start3A_174 : memref<10000x128xf32, #tpu.memory_space<hbm>>) target(%arg26 : memref<80x128xf32, #tpu.memory_space<vmem>>) offsets(%arg24 : memref<80xi32, #tpu.memory_space<vmem>>) semaphore(%arg31 : memref<!tpu.dma_semaphore, #tpu.memory_space<semaphore_mem>>)
        %dma_wait3A = arith.constant 0 : i32
        %dma_wait3A_175 = arith.constant 0 : i32
        %dma_wait3A_176 = tpu.memref_slice %arg2[%dma_wait3A, %dma_wait3A_175] : memref<10000x128xf32, #tpu.memory_space<hbm>> -> memref<10000x128xf32, #tpu.memory_space<hbm>>
        tpu.wait_indirect_dma semaphore(%arg31 : memref<!tpu.dma_semaphore, #tpu.memory_space<semaphore_mem>>) src(%dma_wait3A_176 : memref<10000x128xf32, #tpu.memory_space<hbm>>) dst(%arg26 : memref<80x128xf32, #tpu.memory_space<vmem>>)
        "tpu.region"() ({
          %run_scoped3A = tpu.sem_alloc : memref<!tpu.dma_semaphore, #tpu.memory_space<semaphore_mem>>
          %dma_start3A_178 = arith.constant 0 : i32
          %dma_start3A_179 = arith.constant 0 : i32
          %dma_start3A_180 = tpu.memref_slice %arg29[%dma_start3A_178, %dma_start3A_179] : memref<13312x128xf32, #tpu.memory_space<vmem_shared>> -> memref<13312x128xf32, #tpu.memory_space<vmem_shared>>
          tpu.enqueue_indirect_dma source(%arg26 : memref<80x128xf32, #tpu.memory_space<vmem>>) target(%dma_start3A_180 : memref<13312x128xf32, #tpu.memory_space<vmem_shared>>) offsets(%arg25 : memref<80xi32, #tpu.memory_space<vmem>>) semaphore(%run_scoped3A : memref<!tpu.dma_semaphore, #tpu.memory_space<semaphore_mem>>) {add = true}
          %dma_wait3A_181 = arith.constant 0 : i32
          %dma_wait3A_182 = arith.constant 0 : i32
          %dma_wait3A_183 = tpu.memref_slice %arg29[%dma_wait3A_181, %dma_wait3A_182] : memref<13312x128xf32, #tpu.memory_space<vmem_shared>> -> memref<13312x128xf32, #tpu.memory_space<vmem_shared>>
          tpu.wait_indirect_dma semaphore(%run_scoped3A : memref<!tpu.dma_semaphore, #tpu.memory_space<semaphore_mem>>) src(%arg26 : memref<80x128xf32, #tpu.memory_space<vmem>>) dst(%dma_wait3A_183 : memref<13312x128xf32, #tpu.memory_space<vmem_shared>>)
          tpu.yield
        }) : () -> ()
        "tpu.region"() ({
          %run_scoped3A = tpu.sem_alloc : memref<!tpu.dma_semaphore, #tpu.memory_space<semaphore_mem>>
          %dma_start3A_178 = arith.constant 0 : i32
          %dma_start3A_179 = tpu.memref_slice %arg30[%dma_start3A_178] : memref<13312xf32, #tpu.memory_space<vmem_shared>> -> memref<13312xf32, #tpu.memory_space<vmem_shared>>
          tpu.enqueue_indirect_dma source(%arg27 : memref<80xf32, #tpu.memory_space<vmem>>) target(%dma_start3A_179 : memref<13312xf32, #tpu.memory_space<vmem_shared>>) offsets(%arg25 : memref<80xi32, #tpu.memory_space<vmem>>) semaphore(%run_scoped3A : memref<!tpu.dma_semaphore, #tpu.memory_space<semaphore_mem>>) {add = true}
          %dma_wait3A_180 = arith.constant 0 : i32
          %dma_wait3A_181 = tpu.memref_slice %arg30[%dma_wait3A_180] : memref<13312xf32, #tpu.memory_space<vmem_shared>> -> memref<13312xf32, #tpu.memory_space<vmem_shared>>
          tpu.wait_indirect_dma semaphore(%run_scoped3A : memref<!tpu.dma_semaphore, #tpu.memory_space<semaphore_mem>>) src(%arg27 : memref<80xf32, #tpu.memory_space<vmem>>) dst(%dma_wait3A_181 : memref<13312xf32, #tpu.memory_space<vmem_shared>>)
          tpu.yield
        }) : () -> ()
        %scan3A_177 = arith.constant 0 : i32
        scf.yield %scan3A_177 : i32
      }
      %scan3A_79 = arith.constant 25 : i32
      %scan3A_80 = arith.constant 0 : i32
      scf.yield %scan3A_80 : i32
    }
    %scan3A_15 = arith.constant 10 : i32
    %barrier3A_16 = arith.constant 0 : index
    tpu.barrier barrier_id(%barrier3A_16)
    %add3A_17 = arith.addi %mul3A_5, %mul3A_0 : i32
    "tpu.region"() ({
      %run_scoped3A = tpu.sem_alloc : memref<!tpu.dma_semaphore, #tpu.memory_space<semaphore_mem>>
      %dma_start3A = arith.constant 0 : i32
      %dma_start3A_61 = tpu.memref_slice %arg13[%add3A_17, %dma_start3A] : memref<51200x128xf32, #tpu.memory_space<hbm>> -> memref<800x128xf32, #tpu.memory_space<hbm>>
      %dma_start3A_62 = arith.constant 0 : i32
      %dma_start3A_63 = tpu.memref_slice %arg29[%mul3A_0, %dma_start3A_62] : memref<13312x128xf32, #tpu.memory_space<vmem_shared>> -> memref<800x128xf32, #tpu.memory_space<vmem_shared>>
      tpu.enqueue_dma source(%dma_start3A_63 : memref<800x128xf32, #tpu.memory_space<vmem_shared>>) target(%dma_start3A_61 : memref<800x128xf32, #tpu.memory_space<hbm>>) target_semaphore(%run_scoped3A : memref<!tpu.dma_semaphore, #tpu.memory_space<semaphore_mem>>)
      %dma_wait3A = arith.constant 0 : i32
      %dma_wait3A_64 = tpu.memref_slice %arg13[%add3A_17, %dma_wait3A] : memref<51200x128xf32, #tpu.memory_space<hbm>> -> memref<800x128xf32, #tpu.memory_space<hbm>>
      %dma_wait3A_65 = arith.constant 0 : i32
      %dma_wait3A_66 = tpu.memref_slice %arg29[%mul3A_0, %dma_wait3A_65] : memref<13312x128xf32, #tpu.memory_space<vmem_shared>> -> memref<800x128xf32, #tpu.memory_space<vmem_shared>>
      tpu.wait_dma2 semaphore(%run_scoped3A : memref<!tpu.dma_semaphore, #tpu.memory_space<semaphore_mem>>) src(%dma_wait3A_66 : memref<800x128xf32, #tpu.memory_space<vmem_shared>>) dst(%dma_wait3A_64 : memref<800x128xf32, #tpu.memory_space<hbm>>)
      tpu.yield
    }) : () -> ()
    "tpu.region"() ({
      %run_scoped3A = tpu.sem_alloc : memref<!tpu.dma_semaphore, #tpu.memory_space<semaphore_mem>>
      %dma_start3A = tpu.memref_slice %arg30[%mul3A_0] : memref<13312xf32, #tpu.memory_space<vmem_shared>> -> memref<800xf32, #tpu.memory_space<vmem_shared>>
      %dma_start3A_61 = tpu.memref_slice %arg30[%mul3A_0] : memref<13312xf32, #tpu.memory_space<vmem_shared>> -> memref<800xf32, #tpu.memory_space<vmem_shared>>
      tpu.enqueue_dma source(%dma_start3A_61 : memref<800xf32, #tpu.memory_space<vmem_shared>>) target(%arg28 : memref<800xf32, #tpu.memory_space<vmem>>) target_semaphore(%run_scoped3A : memref<!tpu.dma_semaphore, #tpu.memory_space<semaphore_mem>>)
      %dma_wait3A = tpu.memref_slice %arg30[%mul3A_0] : memref<13312xf32, #tpu.memory_space<vmem_shared>> -> memref<800xf32, #tpu.memory_space<vmem_shared>>
      %dma_wait3A_62 = tpu.memref_slice %arg30[%mul3A_0] : memref<13312xf32, #tpu.memory_space<vmem_shared>> -> memref<800xf32, #tpu.memory_space<vmem_shared>>
      tpu.wait_dma2 semaphore(%run_scoped3A : memref<!tpu.dma_semaphore, #tpu.memory_space<semaphore_mem>>) src(%dma_wait3A_62 : memref<800xf32, #tpu.memory_space<vmem_shared>>) dst(%arg28 : memref<800xf32, #tpu.memory_space<vmem>>)
      tpu.yield
    }) : () -> ()
    %add3A_18 = arith.addi %mul3A_5, %mul3A_0 : i32
    "tpu.region"() ({
      %run_scoped3A = tpu.sem_alloc : memref<!tpu.dma_semaphore, #tpu.memory_space<semaphore_mem>>
      %dma_start3A = tpu.memref_slice %arg14[%add3A_18] : memref<51200xf32, #tpu.memory_space<hbm>> -> memref<800xf32, #tpu.memory_space<hbm>>
      %dma_start3A_61 = tpu.memref_slice %arg14[%add3A_18] : memref<51200xf32, #tpu.memory_space<hbm>> -> memref<800xf32, #tpu.memory_space<hbm>>
      tpu.enqueue_dma source(%arg28 : memref<800xf32, #tpu.memory_space<vmem>>) target(%dma_start3A_61 : memref<800xf32, #tpu.memory_space<hbm>>) target_semaphore(%run_scoped3A : memref<!tpu.dma_semaphore, #tpu.memory_space<semaphore_mem>>)
      %dma_wait3A = tpu.memref_slice %arg14[%add3A_18] : memref<51200xf32, #tpu.memory_space<hbm>> -> memref<800xf32, #tpu.memory_space<hbm>>
      %dma_wait3A_62 = tpu.memref_slice %arg14[%add3A_18] : memref<51200xf32, #tpu.memory_space<hbm>> -> memref<800xf32, #tpu.memory_space<hbm>>
      tpu.wait_dma2 semaphore(%run_scoped3A : memref<!tpu.dma_semaphore, #tpu.memory_space<semaphore_mem>>) src(%arg28 : memref<800xf32, #tpu.memory_space<vmem>>) dst(%dma_wait3A_62 : memref<800xf32, #tpu.memory_space<hbm>>)
      tpu.yield
    }) : () -> ()
    %mul3A_19 = arith.constant 2 : i32
    %mul3A_20 = arith.muli %mul3A_19, %arg0 : i32
    %add3A_21 = arith.constant 1 : i32
    %add3A_22 = arith.addi %mul3A_20, %add3A_21 : i32
    %mul3A_23 = arith.constant 12800 : i32
    %mul3A_24 = arith.muli %add3A_22, %mul3A_23 : i32
    %mul3A_25 = arith.constant 20000 : i32
    %mul3A_26 = arith.muli %arg1, %mul3A_25 : i32
    "tpu.region"() ({
      %run_scoped3A = tpu.sem_alloc : memref<!tpu.dma_semaphore, #tpu.memory_space<semaphore_mem>>
      %dma_start3A = arith.constant 0 : i32
      %dma_start3A_61 = tpu.memref_slice %arg29[%mul3A_0, %dma_start3A] : memref<13312x128xf32, #tpu.memory_space<vmem_shared>> -> memref<800x128xf32, #tpu.memory_space<vmem_shared>>
      %dma_start3A_62 = arith.constant 0 : i32
      %dma_start3A_63 = arith.constant 0 : i32
      %dma_start3A_64 = tpu.memref_slice %arg10[%dma_start3A_62, %dma_start3A_63] : memref<800x128xf32, #tpu.memory_space<hbm>> -> memref<800x128xf32, #tpu.memory_space<hbm>>
      tpu.enqueue_dma source(%dma_start3A_64 : memref<800x128xf32, #tpu.memory_space<hbm>>) target(%dma_start3A_61 : memref<800x128xf32, #tpu.memory_space<vmem_shared>>) target_semaphore(%run_scoped3A : memref<!tpu.dma_semaphore, #tpu.memory_space<semaphore_mem>>)
      %dma_wait3A = arith.constant 0 : i32
      %dma_wait3A_65 = tpu.memref_slice %arg29[%mul3A_0, %dma_wait3A] : memref<13312x128xf32, #tpu.memory_space<vmem_shared>> -> memref<800x128xf32, #tpu.memory_space<vmem_shared>>
      %dma_wait3A_66 = arith.constant 0 : i32
      %dma_wait3A_67 = arith.constant 0 : i32
      %dma_wait3A_68 = tpu.memref_slice %arg10[%dma_wait3A_66, %dma_wait3A_67] : memref<800x128xf32, #tpu.memory_space<hbm>> -> memref<800x128xf32, #tpu.memory_space<hbm>>
      tpu.wait_dma2 semaphore(%run_scoped3A : memref<!tpu.dma_semaphore, #tpu.memory_space<semaphore_mem>>) src(%dma_wait3A_68 : memref<800x128xf32, #tpu.memory_space<hbm>>) dst(%dma_wait3A_65 : memref<800x128xf32, #tpu.memory_space<vmem_shared>>)
      tpu.yield
    }) : () -> ()
    "tpu.region"() ({
      %run_scoped3A = tpu.sem_alloc : memref<!tpu.dma_semaphore, #tpu.memory_space<semaphore_mem>>
      %dma_start3A = arith.constant 0 : i32
      %dma_start3A_61 = tpu.memref_slice %arg11[%dma_start3A] : memref<800xf32, #tpu.memory_space<hbm>> -> memref<800xf32, #tpu.memory_space<hbm>>
      %dma_start3A_62 = arith.constant 0 : i32
      %dma_start3A_63 = tpu.memref_slice %arg11[%dma_start3A_62] : memref<800xf32, #tpu.memory_space<hbm>> -> memref<800xf32, #tpu.memory_space<hbm>>
      tpu.enqueue_dma source(%dma_start3A_63 : memref<800xf32, #tpu.memory_space<hbm>>) target(%arg28 : memref<800xf32, #tpu.memory_space<vmem>>) target_semaphore(%run_scoped3A : memref<!tpu.dma_semaphore, #tpu.memory_space<semaphore_mem>>)
      %dma_wait3A = arith.constant 0 : i32
      %dma_wait3A_64 = tpu.memref_slice %arg11[%dma_wait3A] : memref<800xf32, #tpu.memory_space<hbm>> -> memref<800xf32, #tpu.memory_space<hbm>>
      %dma_wait3A_65 = arith.constant 0 : i32
      %dma_wait3A_66 = tpu.memref_slice %arg11[%dma_wait3A_65] : memref<800xf32, #tpu.memory_space<hbm>> -> memref<800xf32, #tpu.memory_space<hbm>>
      tpu.wait_dma2 semaphore(%run_scoped3A : memref<!tpu.dma_semaphore, #tpu.memory_space<semaphore_mem>>) src(%dma_wait3A_66 : memref<800xf32, #tpu.memory_space<hbm>>) dst(%arg28 : memref<800xf32, #tpu.memory_space<vmem>>)
      tpu.yield
    }) : () -> ()
    "tpu.region"() ({
      %run_scoped3A = tpu.sem_alloc : memref<!tpu.dma_semaphore, #tpu.memory_space<semaphore_mem>>
      %dma_start3A = tpu.memref_slice %arg30[%mul3A_0] : memref<13312xf32, #tpu.memory_space<vmem_shared>> -> memref<800xf32, #tpu.memory_space<vmem_shared>>
      %dma_start3A_61 = tpu.memref_slice %arg30[%mul3A_0] : memref<13312xf32, #tpu.memory_space<vmem_shared>> -> memref<800xf32, #tpu.memory_space<vmem_shared>>
      tpu.enqueue_dma source(%arg28 : memref<800xf32, #tpu.memory_space<vmem>>) target(%dma_start3A_61 : memref<800xf32, #tpu.memory_space<vmem_shared>>) target_semaphore(%run_scoped3A : memref<!tpu.dma_semaphore, #tpu.memory_space<semaphore_mem>>)
      %dma_wait3A = tpu.memref_slice %arg30[%mul3A_0] : memref<13312xf32, #tpu.memory_space<vmem_shared>> -> memref<800xf32, #tpu.memory_space<vmem_shared>>
      %dma_wait3A_62 = tpu.memref_slice %arg30[%mul3A_0] : memref<13312xf32, #tpu.memory_space<vmem_shared>> -> memref<800xf32, #tpu.memory_space<vmem_shared>>
      tpu.wait_dma2 semaphore(%run_scoped3A : memref<!tpu.dma_semaphore, #tpu.memory_space<semaphore_mem>>) src(%arg28 : memref<800xf32, #tpu.memory_space<vmem>>) dst(%dma_wait3A_62 : memref<800xf32, #tpu.memory_space<vmem_shared>>)
      tpu.yield
    }) : () -> ()
    %barrier3A_27 = arith.constant 0 : index
    tpu.barrier barrier_id(%barrier3A_27)
    %add3A_28 = arith.constant 12800 : i32
    %add3A_29 = arith.addi %mul3A_24, %add3A_28 : i32
    %scan3A_30 = arith.constant 0 : i32
    %scan3A_31 = arith.constant 0 : i32
    %scan3A_32 = arith.constant 10 : i32
    %scan3A_33 = arith.addi %scan3A_31, %scan3A_32 : i32
    %scan3A_34 = arith.constant 1 : i32
    %scan3A_35 = scf.for %scan3A_61 = %scan3A_31 to %scan3A_33 step %scan3A_34 iter_args(%scan3A_62 = %scan3A_30) -> (i32)  : i32 {
      %mul3A_63 = arith.constant 2000 : i32
      %mul3A_64 = arith.muli %scan3A_61, %mul3A_63 : i32
      %add3A_65 = arith.addi %mul3A_26, %mul3A_64 : i32
      "tpu.region"() ({
        %run_scoped3A = tpu.sem_alloc : memref<!tpu.dma_semaphore, #tpu.memory_space<semaphore_mem>>
        %dma_start3A = tpu.memref_slice %arg4[%add3A_65] : memref<320000xi32, #tpu.memory_space<hbm>> -> memref<2000xi32, #tpu.memory_space<hbm>>
        %dma_start3A_81 = tpu.memref_slice %arg4[%add3A_65] : memref<320000xi32, #tpu.memory_space<hbm>> -> memref<2000xi32, #tpu.memory_space<hbm>>
        tpu.enqueue_dma source(%dma_start3A_81 : memref<2000xi32, #tpu.memory_space<hbm>>) target(%arg19 : memref<2000xi32, #tpu.memory_space<vmem>>) target_semaphore(%run_scoped3A : memref<!tpu.dma_semaphore, #tpu.memory_space<semaphore_mem>>)
        %dma_wait3A = tpu.memref_slice %arg4[%add3A_65] : memref<320000xi32, #tpu.memory_space<hbm>> -> memref<2000xi32, #tpu.memory_space<hbm>>
        %dma_wait3A_82 = tpu.memref_slice %arg4[%add3A_65] : memref<320000xi32, #tpu.memory_space<hbm>> -> memref<2000xi32, #tpu.memory_space<hbm>>
        tpu.wait_dma2 semaphore(%run_scoped3A : memref<!tpu.dma_semaphore, #tpu.memory_space<semaphore_mem>>) src(%dma_wait3A_82 : memref<2000xi32, #tpu.memory_space<hbm>>) dst(%arg19 : memref<2000xi32, #tpu.memory_space<vmem>>)
        tpu.yield
      }) : () -> ()
      "tpu.region"() ({
        %run_scoped3A = tpu.sem_alloc : memref<!tpu.dma_semaphore, #tpu.memory_space<semaphore_mem>>
        %dma_start3A = tpu.memref_slice %arg5[%add3A_65] : memref<320000xi32, #tpu.memory_space<hbm>> -> memref<2000xi32, #tpu.memory_space<hbm>>
        %dma_start3A_81 = tpu.memref_slice %arg5[%add3A_65] : memref<320000xi32, #tpu.memory_space<hbm>> -> memref<2000xi32, #tpu.memory_space<hbm>>
        tpu.enqueue_dma source(%dma_start3A_81 : memref<2000xi32, #tpu.memory_space<hbm>>) target(%arg20 : memref<2000xi32, #tpu.memory_space<vmem>>) target_semaphore(%run_scoped3A : memref<!tpu.dma_semaphore, #tpu.memory_space<semaphore_mem>>)
        %dma_wait3A = tpu.memref_slice %arg5[%add3A_65] : memref<320000xi32, #tpu.memory_space<hbm>> -> memref<2000xi32, #tpu.memory_space<hbm>>
        %dma_wait3A_82 = tpu.memref_slice %arg5[%add3A_65] : memref<320000xi32, #tpu.memory_space<hbm>> -> memref<2000xi32, #tpu.memory_space<hbm>>
        tpu.wait_dma2 semaphore(%run_scoped3A : memref<!tpu.dma_semaphore, #tpu.memory_space<semaphore_mem>>) src(%dma_wait3A_82 : memref<2000xi32, #tpu.memory_space<hbm>>) dst(%arg20 : memref<2000xi32, #tpu.memory_space<vmem>>)
        tpu.yield
      }) : () -> ()
      "tpu.region"() ({
        %run_scoped3A = tpu.sem_alloc : memref<!tpu.dma_semaphore, #tpu.memory_space<semaphore_mem>>
        %dma_start3A = tpu.memref_slice %arg6[%add3A_65] : memref<320000xf32, #tpu.memory_space<hbm>> -> memref<2000xf32, #tpu.memory_space<hbm>>
        %dma_start3A_81 = tpu.memref_slice %arg6[%add3A_65] : memref<320000xf32, #tpu.memory_space<hbm>> -> memref<2000xf32, #tpu.memory_space<hbm>>
        tpu.enqueue_dma source(%dma_start3A_81 : memref<2000xf32, #tpu.memory_space<hbm>>) target(%arg21 : memref<2000xf32, #tpu.memory_space<vmem>>) target_semaphore(%run_scoped3A : memref<!tpu.dma_semaphore, #tpu.memory_space<semaphore_mem>>)
        %dma_wait3A = tpu.memref_slice %arg6[%add3A_65] : memref<320000xf32, #tpu.memory_space<hbm>> -> memref<2000xf32, #tpu.memory_space<hbm>>
        %dma_wait3A_82 = tpu.memref_slice %arg6[%add3A_65] : memref<320000xf32, #tpu.memory_space<hbm>> -> memref<2000xf32, #tpu.memory_space<hbm>>
        tpu.wait_dma2 semaphore(%run_scoped3A : memref<!tpu.dma_semaphore, #tpu.memory_space<semaphore_mem>>) src(%dma_wait3A_82 : memref<2000xf32, #tpu.memory_space<hbm>>) dst(%arg21 : memref<2000xf32, #tpu.memory_space<vmem>>)
        tpu.yield
      }) : () -> ()
      %scan3A_66 = arith.constant 0 : i32
      %scan3A_67 = arith.constant 0 : i32
      %scan3A_68 = arith.constant 125 : i32
      %scan3A_69 = arith.addi %scan3A_67, %scan3A_68 : i32
      %scan3A_70 = arith.constant 1 : i32
      %scan3A_71 = scf.for %scan3A_81 = %scan3A_67 to %scan3A_69 step %scan3A_70 iter_args(%scan3A_82 = %scan3A_66) -> (i32)  : i32 {
        %mul3A_83 = arith.constant 16 : i32
        %mul3A_84 = arith.muli %scan3A_81, %mul3A_83 : i32
        %get3A = arith.index_cast %mul3A_84 : i32 to index
        %get3A_85 = tpu.vector_load %arg19[%get3A] {strides = array<i32>} : memref<2000xi32, #tpu.memory_space<vmem>>, vector<16xi32>,
        %get3A_86 = vector.shape_cast %get3A_85 : vector<16xi32> to vector<16xi32>
        %get3A_87 = arith.index_cast %mul3A_84 : i32 to index
        %get3A_88 = tpu.vector_load %arg20[%get3A_87] {strides = array<i32>} : memref<2000xi32, #tpu.memory_space<vmem>>, vector<16xi32>,
        %get3A_89 = vector.shape_cast %get3A_88 : vector<16xi32> to vector<16xi32>
        %get3A_90 = arith.index_cast %mul3A_84 : i32 to index
        %get3A_91 = tpu.vector_load %arg21[%get3A_90] {strides = array<i32>} : memref<2000xf32, #tpu.memory_space<vmem>>, vector<16xf32>,
        %get3A_92 = vector.shape_cast %get3A_91 : vector<16xf32> to vector<16xf32>
        %ge3A = vector.broadcast %mul3A_24 : i32 to vector<16xi32>
        %ge3A_93 = arith.cmpi sge, %get3A_89, %ge3A : vector<16xi32>
        %lt3A = vector.broadcast %add3A_29 : i32 to vector<16xi32>
        %lt3A_94 = arith.cmpi slt, %get3A_89, %lt3A : vector<16xi32>
        %and3A = arith.andi %ge3A_93, %lt3A_94 : vector<16xi1>
        %gt3A = arith.constant 5.000000e-01 : f32
        %gt3A_95 = vector.broadcast %gt3A : f32 to vector<16xf32>
        %gt3A_96 = arith.cmpf ogt, %get3A_92, %gt3A_95 : vector<16xf32>
        %and3A_97 = arith.andi %and3A, %gt3A_96 : vector<16xi1>
        %jit3A = arith.constant 0 : i32
        %broadcast_in_dim3A = vector.broadcast %jit3A : i32 to vector<16xi32>
        %select_n3A = arith.select %and3A_97, %get3A_86, %broadcast_in_dim3A : vector<16xi1>, vector<16xi32>
        %swap3A = arith.index_cast %mul3A_84 : i32 to index
        %swap3A_98 = tpu.vector_load %arg22[%swap3A] {strides = array<i32>} : memref<2000xi32, #tpu.memory_space<vmem>>, vector<16xi32>,
        %swap3A_99 = vector.shape_cast %swap3A_98 : vector<16xi32> to vector<16xi32>
        %swap3A_100 = vector.shape_cast %select_n3A : vector<16xi32> to vector<16xi32>
        tpu.vector_store %arg22[%swap3A], %swap3A_100 {strides = array<i32>} : memref<2000xi32, #tpu.memory_space<vmem>>, vector<16xi32>,
        %sub3A = vector.broadcast %mul3A_24 : i32 to vector<16xi32>
        %sub3A_101 = arith.subi %get3A_89, %sub3A : vector<16xi32>
        %and3A_102 = arith.constant 511 : i32
        %and3A_103 = vector.broadcast %and3A_102 : i32 to vector<16xi32>
        %and3A_104 = arith.andi %get3A_86, %and3A_103 : vector<16xi32>
        %add3A_105 = arith.constant 12800 : i32
        %add3A_106 = vector.broadcast %add3A_105 : i32 to vector<16xi32>
        %add3A_107 = arith.addi %add3A_106, %and3A_104 : vector<16xi32>
        %select_n3A_108 = arith.select %and3A_97, %sub3A_101, %add3A_107 : vector<16xi1>, vector<16xi32>
        %swap3A_109 = arith.index_cast %mul3A_84 : i32 to index
        %swap3A_110 = tpu.vector_load %arg23[%swap3A_109] {strides = array<i32>} : memref<2000xi32, #tpu.memory_space<vmem>>, vector<16xi32>,
        %swap3A_111 = vector.shape_cast %swap3A_110 : vector<16xi32> to vector<16xi32>
        %swap3A_112 = vector.shape_cast %select_n3A_108 : vector<16xi32> to vector<16xi32>
        tpu.vector_store %arg23[%swap3A_109], %swap3A_112 {strides = array<i32>} : memref<2000xi32, #tpu.memory_space<vmem>>, vector<16xi32>,
        %scan3A_113 = arith.constant 0 : i32
        scf.yield %scan3A_113 : i32
      }
      %scan3A_72 = arith.constant 125 : i32
      %scan3A_73 = arith.constant 0 : i32
      %scan3A_74 = arith.constant 0 : i32
      %scan3A_75 = arith.constant 25 : i32
      %scan3A_76 = arith.addi %scan3A_74, %scan3A_75 : i32
      %scan3A_77 = arith.constant 1 : i32
      %scan3A_78 = scf.for %scan3A_81 = %scan3A_74 to %scan3A_76 step %scan3A_77 iter_args(%scan3A_82 = %scan3A_73) -> (i32)  : i32 {
        %mul3A_83 = arith.constant 80 : i32
        %mul3A_84 = arith.muli %scan3A_81, %mul3A_83 : i32
        %add3A_85 = arith.constant 0 : i32
        %add3A_86 = arith.addi %mul3A_84, %add3A_85 : i32
        %get3A = arith.index_cast %add3A_86 : i32 to index
        %get3A_87 = tpu.vector_load %arg22[%get3A] {strides = array<i32>} : memref<2000xi32, #tpu.memory_space<vmem>>, vector<16xi32>,
        %get3A_88 = vector.shape_cast %get3A_87 : vector<16xi32> to vector<16xi32>
        %swap3A = arith.constant 0 : index
        %swap3A_89 = tpu.vector_load %arg24[%swap3A] {strides = array<i32>} : memref<80xi32, #tpu.memory_space<vmem>>, vector<16xi32>,
        %swap3A_90 = vector.shape_cast %swap3A_89 : vector<16xi32> to vector<16xi32>
        %swap3A_91 = vector.shape_cast %get3A_88 : vector<16xi32> to vector<16xi32>
        tpu.vector_store %arg24[%swap3A], %swap3A_91 {strides = array<i32>} : memref<80xi32, #tpu.memory_space<vmem>>, vector<16xi32>,
        %add3A_92 = arith.constant 0 : i32
        %add3A_93 = arith.addi %mul3A_84, %add3A_92 : i32
        %get3A_94 = arith.index_cast %add3A_93 : i32 to index
        %get3A_95 = tpu.vector_load %arg23[%get3A_94] {strides = array<i32>} : memref<2000xi32, #tpu.memory_space<vmem>>, vector<16xi32>,
        %get3A_96 = vector.shape_cast %get3A_95 : vector<16xi32> to vector<16xi32>
        %swap3A_97 = arith.constant 0 : index
        %swap3A_98 = tpu.vector_load %arg25[%swap3A_97] {strides = array<i32>} : memref<80xi32, #tpu.memory_space<vmem>>, vector<16xi32>,
        %swap3A_99 = vector.shape_cast %swap3A_98 : vector<16xi32> to vector<16xi32>
        %swap3A_100 = vector.shape_cast %get3A_96 : vector<16xi32> to vector<16xi32>
        tpu.vector_store %arg25[%swap3A_97], %swap3A_100 {strides = array<i32>} : memref<80xi32, #tpu.memory_space<vmem>>, vector<16xi32>,
        %add3A_101 = arith.constant 16 : i32
        %add3A_102 = arith.addi %mul3A_84, %add3A_101 : i32
        %get3A_103 = arith.index_cast %add3A_102 : i32 to index
        %get3A_104 = tpu.vector_load %arg22[%get3A_103] {strides = array<i32>} : memref<2000xi32, #tpu.memory_space<vmem>>, vector<16xi32>,
        %get3A_105 = vector.shape_cast %get3A_104 : vector<16xi32> to vector<16xi32>
        %swap3A_106 = arith.constant 16 : index
        %swap3A_107 = tpu.vector_load %arg24[%swap3A_106] {strides = array<i32>} : memref<80xi32, #tpu.memory_space<vmem>>, vector<16xi32>,
        %swap3A_108 = vector.shape_cast %swap3A_107 : vector<16xi32> to vector<16xi32>
        %swap3A_109 = vector.shape_cast %get3A_105 : vector<16xi32> to vector<16xi32>
        tpu.vector_store %arg24[%swap3A_106], %swap3A_109 {strides = array<i32>} : memref<80xi32, #tpu.memory_space<vmem>>, vector<16xi32>,
        %add3A_110 = arith.constant 16 : i32
        %add3A_111 = arith.addi %mul3A_84, %add3A_110 : i32
        %get3A_112 = arith.index_cast %add3A_111 : i32 to index
        %get3A_113 = tpu.vector_load %arg23[%get3A_112] {strides = array<i32>} : memref<2000xi32, #tpu.memory_space<vmem>>, vector<16xi32>,
        %get3A_114 = vector.shape_cast %get3A_113 : vector<16xi32> to vector<16xi32>
        %swap3A_115 = arith.constant 16 : index
        %swap3A_116 = tpu.vector_load %arg25[%swap3A_115] {strides = array<i32>} : memref<80xi32, #tpu.memory_space<vmem>>, vector<16xi32>,
        %swap3A_117 = vector.shape_cast %swap3A_116 : vector<16xi32> to vector<16xi32>
        %swap3A_118 = vector.shape_cast %get3A_114 : vector<16xi32> to vector<16xi32>
        tpu.vector_store %arg25[%swap3A_115], %swap3A_118 {strides = array<i32>} : memref<80xi32, #tpu.memory_space<vmem>>, vector<16xi32>,
        %add3A_119 = arith.constant 32 : i32
        %add3A_120 = arith.addi %mul3A_84, %add3A_119 : i32
        %get3A_121 = arith.index_cast %add3A_120 : i32 to index
        %get3A_122 = tpu.vector_load %arg22[%get3A_121] {strides = array<i32>} : memref<2000xi32, #tpu.memory_space<vmem>>, vector<16xi32>,
        %get3A_123 = vector.shape_cast %get3A_122 : vector<16xi32> to vector<16xi32>
        %swap3A_124 = arith.constant 32 : index
        %swap3A_125 = tpu.vector_load %arg24[%swap3A_124] {strides = array<i32>} : memref<80xi32, #tpu.memory_space<vmem>>, vector<16xi32>,
        %swap3A_126 = vector.shape_cast %swap3A_125 : vector<16xi32> to vector<16xi32>
        %swap3A_127 = vector.shape_cast %get3A_123 : vector<16xi32> to vector<16xi32>
        tpu.vector_store %arg24[%swap3A_124], %swap3A_127 {strides = array<i32>} : memref<80xi32, #tpu.memory_space<vmem>>, vector<16xi32>,
        %add3A_128 = arith.constant 32 : i32
        %add3A_129 = arith.addi %mul3A_84, %add3A_128 : i32
        %get3A_130 = arith.index_cast %add3A_129 : i32 to index
        %get3A_131 = tpu.vector_load %arg23[%get3A_130] {strides = array<i32>} : memref<2000xi32, #tpu.memory_space<vmem>>, vector<16xi32>,
        %get3A_132 = vector.shape_cast %get3A_131 : vector<16xi32> to vector<16xi32>
        %swap3A_133 = arith.constant 32 : index
        %swap3A_134 = tpu.vector_load %arg25[%swap3A_133] {strides = array<i32>} : memref<80xi32, #tpu.memory_space<vmem>>, vector<16xi32>,
        %swap3A_135 = vector.shape_cast %swap3A_134 : vector<16xi32> to vector<16xi32>
        %swap3A_136 = vector.shape_cast %get3A_132 : vector<16xi32> to vector<16xi32>
        tpu.vector_store %arg25[%swap3A_133], %swap3A_136 {strides = array<i32>} : memref<80xi32, #tpu.memory_space<vmem>>, vector<16xi32>,
        %add3A_137 = arith.constant 48 : i32
        %add3A_138 = arith.addi %mul3A_84, %add3A_137 : i32
        %get3A_139 = arith.index_cast %add3A_138 : i32 to index
        %get3A_140 = tpu.vector_load %arg22[%get3A_139] {strides = array<i32>} : memref<2000xi32, #tpu.memory_space<vmem>>, vector<16xi32>,
        %get3A_141 = vector.shape_cast %get3A_140 : vector<16xi32> to vector<16xi32>
        %swap3A_142 = arith.constant 48 : index
        %swap3A_143 = tpu.vector_load %arg24[%swap3A_142] {strides = array<i32>} : memref<80xi32, #tpu.memory_space<vmem>>, vector<16xi32>,
        %swap3A_144 = vector.shape_cast %swap3A_143 : vector<16xi32> to vector<16xi32>
        %swap3A_145 = vector.shape_cast %get3A_141 : vector<16xi32> to vector<16xi32>
        tpu.vector_store %arg24[%swap3A_142], %swap3A_145 {strides = array<i32>} : memref<80xi32, #tpu.memory_space<vmem>>, vector<16xi32>,
        %add3A_146 = arith.constant 48 : i32
        %add3A_147 = arith.addi %mul3A_84, %add3A_146 : i32
        %get3A_148 = arith.index_cast %add3A_147 : i32 to index
        %get3A_149 = tpu.vector_load %arg23[%get3A_148] {strides = array<i32>} : memref<2000xi32, #tpu.memory_space<vmem>>, vector<16xi32>,
        %get3A_150 = vector.shape_cast %get3A_149 : vector<16xi32> to vector<16xi32>
        %swap3A_151 = arith.constant 48 : index
        %swap3A_152 = tpu.vector_load %arg25[%swap3A_151] {strides = array<i32>} : memref<80xi32, #tpu.memory_space<vmem>>, vector<16xi32>,
        %swap3A_153 = vector.shape_cast %swap3A_152 : vector<16xi32> to vector<16xi32>
        %swap3A_154 = vector.shape_cast %get3A_150 : vector<16xi32> to vector<16xi32>
        tpu.vector_store %arg25[%swap3A_151], %swap3A_154 {strides = array<i32>} : memref<80xi32, #tpu.memory_space<vmem>>, vector<16xi32>,
        %add3A_155 = arith.constant 64 : i32
        %add3A_156 = arith.addi %mul3A_84, %add3A_155 : i32
        %get3A_157 = arith.index_cast %add3A_156 : i32 to index
        %get3A_158 = tpu.vector_load %arg22[%get3A_157] {strides = array<i32>} : memref<2000xi32, #tpu.memory_space<vmem>>, vector<16xi32>,
        %get3A_159 = vector.shape_cast %get3A_158 : vector<16xi32> to vector<16xi32>
        %swap3A_160 = arith.constant 64 : index
        %swap3A_161 = tpu.vector_load %arg24[%swap3A_160] {strides = array<i32>} : memref<80xi32, #tpu.memory_space<vmem>>, vector<16xi32>,
        %swap3A_162 = vector.shape_cast %swap3A_161 : vector<16xi32> to vector<16xi32>
        %swap3A_163 = vector.shape_cast %get3A_159 : vector<16xi32> to vector<16xi32>
        tpu.vector_store %arg24[%swap3A_160], %swap3A_163 {strides = array<i32>} : memref<80xi32, #tpu.memory_space<vmem>>, vector<16xi32>,
        %add3A_164 = arith.constant 64 : i32
        %add3A_165 = arith.addi %mul3A_84, %add3A_164 : i32
        %get3A_166 = arith.index_cast %add3A_165 : i32 to index
        %get3A_167 = tpu.vector_load %arg23[%get3A_166] {strides = array<i32>} : memref<2000xi32, #tpu.memory_space<vmem>>, vector<16xi32>,
        %get3A_168 = vector.shape_cast %get3A_167 : vector<16xi32> to vector<16xi32>
        %swap3A_169 = arith.constant 64 : index
        %swap3A_170 = tpu.vector_load %arg25[%swap3A_169] {strides = array<i32>} : memref<80xi32, #tpu.memory_space<vmem>>, vector<16xi32>,
        %swap3A_171 = vector.shape_cast %swap3A_170 : vector<16xi32> to vector<16xi32>
        %swap3A_172 = vector.shape_cast %get3A_168 : vector<16xi32> to vector<16xi32>
        tpu.vector_store %arg25[%swap3A_169], %swap3A_172 {strides = array<i32>} : memref<80xi32, #tpu.memory_space<vmem>>, vector<16xi32>,
        %dma_start3A = arith.constant 0 : i32
        %dma_start3A_173 = arith.constant 0 : i32
        %dma_start3A_174 = tpu.memref_slice %arg2[%dma_start3A, %dma_start3A_173] : memref<10000x128xf32, #tpu.memory_space<hbm>> -> memref<10000x128xf32, #tpu.memory_space<hbm>>
        tpu.enqueue_indirect_dma source(%dma_start3A_174 : memref<10000x128xf32, #tpu.memory_space<hbm>>) target(%arg26 : memref<80x128xf32, #tpu.memory_space<vmem>>) offsets(%arg24 : memref<80xi32, #tpu.memory_space<vmem>>) semaphore(%arg31 : memref<!tpu.dma_semaphore, #tpu.memory_space<semaphore_mem>>)
        %dma_wait3A = arith.constant 0 : i32
        %dma_wait3A_175 = arith.constant 0 : i32
        %dma_wait3A_176 = tpu.memref_slice %arg2[%dma_wait3A, %dma_wait3A_175] : memref<10000x128xf32, #tpu.memory_space<hbm>> -> memref<10000x128xf32, #tpu.memory_space<hbm>>
        tpu.wait_indirect_dma semaphore(%arg31 : memref<!tpu.dma_semaphore, #tpu.memory_space<semaphore_mem>>) src(%dma_wait3A_176 : memref<10000x128xf32, #tpu.memory_space<hbm>>) dst(%arg26 : memref<80x128xf32, #tpu.memory_space<vmem>>)
        "tpu.region"() ({
          %run_scoped3A = tpu.sem_alloc : memref<!tpu.dma_semaphore, #tpu.memory_space<semaphore_mem>>
          %dma_start3A_178 = arith.constant 0 : i32
          %dma_start3A_179 = arith.constant 0 : i32
          %dma_start3A_180 = tpu.memref_slice %arg29[%dma_start3A_178, %dma_start3A_179] : memref<13312x128xf32, #tpu.memory_space<vmem_shared>> -> memref<13312x128xf32, #tpu.memory_space<vmem_shared>>
          tpu.enqueue_indirect_dma source(%arg26 : memref<80x128xf32, #tpu.memory_space<vmem>>) target(%dma_start3A_180 : memref<13312x128xf32, #tpu.memory_space<vmem_shared>>) offsets(%arg25 : memref<80xi32, #tpu.memory_space<vmem>>) semaphore(%run_scoped3A : memref<!tpu.dma_semaphore, #tpu.memory_space<semaphore_mem>>) {add = true}
          %dma_wait3A_181 = arith.constant 0 : i32
          %dma_wait3A_182 = arith.constant 0 : i32
          %dma_wait3A_183 = tpu.memref_slice %arg29[%dma_wait3A_181, %dma_wait3A_182] : memref<13312x128xf32, #tpu.memory_space<vmem_shared>> -> memref<13312x128xf32, #tpu.memory_space<vmem_shared>>
          tpu.wait_indirect_dma semaphore(%run_scoped3A : memref<!tpu.dma_semaphore, #tpu.memory_space<semaphore_mem>>) src(%arg26 : memref<80x128xf32, #tpu.memory_space<vmem>>) dst(%dma_wait3A_183 : memref<13312x128xf32, #tpu.memory_space<vmem_shared>>)
          tpu.yield
        }) : () -> ()
        "tpu.region"() ({
          %run_scoped3A = tpu.sem_alloc : memref<!tpu.dma_semaphore, #tpu.memory_space<semaphore_mem>>
          %dma_start3A_178 = arith.constant 0 : i32
          %dma_start3A_179 = tpu.memref_slice %arg30[%dma_start3A_178] : memref<13312xf32, #tpu.memory_space<vmem_shared>> -> memref<13312xf32, #tpu.memory_space<vmem_shared>>
          tpu.enqueue_indirect_dma source(%arg27 : memref<80xf32, #tpu.memory_space<vmem>>) target(%dma_start3A_179 : memref<13312xf32, #tpu.memory_space<vmem_shared>>) offsets(%arg25 : memref<80xi32, #tpu.memory_space<vmem>>) semaphore(%run_scoped3A : memref<!tpu.dma_semaphore, #tpu.memory_space<semaphore_mem>>) {add = true}
          %dma_wait3A_180 = arith.constant 0 : i32
          %dma_wait3A_181 = tpu.memref_slice %arg30[%dma_wait3A_180] : memref<13312xf32, #tpu.memory_space<vmem_shared>> -> memref<13312xf32, #tpu.memory_space<vmem_shared>>
          tpu.wait_indirect_dma semaphore(%run_scoped3A : memref<!tpu.dma_semaphore, #tpu.memory_space<semaphore_mem>>) src(%arg27 : memref<80xf32, #tpu.memory_space<vmem>>) dst(%dma_wait3A_181 : memref<13312xf32, #tpu.memory_space<vmem_shared>>)
          tpu.yield
        }) : () -> ()
        %scan3A_177 = arith.constant 0 : i32
        scf.yield %scan3A_177 : i32
      }
      %scan3A_79 = arith.constant 25 : i32
      %scan3A_80 = arith.constant 0 : i32
      scf.yield %scan3A_80 : i32
    }
    %scan3A_36 = arith.constant 10 : i32
    %barrier3A_37 = arith.constant 0 : index
    tpu.barrier barrier_id(%barrier3A_37)
    %add3A_38 = arith.addi %mul3A_24, %mul3A_0 : i32
    "tpu.region"() ({
      %run_scoped3A = tpu.sem_alloc : memref<!tpu.dma_semaphore, #tpu.memory_space<semaphore_mem>>
      %dma_start3A = arith.constant 0 : i32
      %dma_start3A_61 = tpu.memref_slice %arg13[%add3A_38, %dma_start3A] : memref<51200x128xf32, #tpu.memory_space<hbm>> -> memref<800x128xf32, #tpu.memory_space<hbm>>
      %dma_start3A_62 = arith.constant 0 : i32
      %dma_start3A_63 = tpu.memref_slice %arg29[%mul3A_0, %dma_start3A_62] : memref<13312x128xf32, #tpu.memory_space<vmem_shared>> -> memref<800x128xf32, #tpu.memory_space<vmem_shared>>
      tpu.enqueue_dma source(%dma_start3A_63 : memref<800x128xf32, #tpu.memory_space<vmem_shared>>) target(%dma_start3A_61 : memref<800x128xf32, #tpu.memory_space<hbm>>) target_semaphore(%run_scoped3A : memref<!tpu.dma_semaphore, #tpu.memory_space<semaphore_mem>>)
      %dma_wait3A = arith.constant 0 : i32
      %dma_wait3A_64 = tpu.memref_slice %arg13[%add3A_38, %dma_wait3A] : memref<51200x128xf32, #tpu.memory_space<hbm>> -> memref<800x128xf32, #tpu.memory_space<hbm>>
      %dma_wait3A_65 = arith.constant 0 : i32
      %dma_wait3A_66 = tpu.memref_slice %arg29[%mul3A_0, %dma_wait3A_65] : memref<13312x128xf32, #tpu.memory_space<vmem_shared>> -> memref<800x128xf32, #tpu.memory_space<vmem_shared>>
      tpu.wait_dma2 semaphore(%run_scoped3A : memref<!tpu.dma_semaphore, #tpu.memory_space<semaphore_mem>>) src(%dma_wait3A_66 : memref<800x128xf32, #tpu.memory_space<vmem_shared>>) dst(%dma_wait3A_64 : memref<800x128xf32, #tpu.memory_space<hbm>>)
      tpu.yield
    }) : () -> ()
    "tpu.region"() ({
      %run_scoped3A = tpu.sem_alloc : memref<!tpu.dma_semaphore, #tpu.memory_space<semaphore_mem>>
      %dma_start3A = tpu.memref_slice %arg30[%mul3A_0] : memref<13312xf32, #tpu.memory_space<vmem_shared>> -> memref<800xf32, #tpu.memory_space<vmem_shared>>
      %dma_start3A_61 = tpu.memref_slice %arg30[%mul3A_0] : memref<13312xf32, #tpu.memory_space<vmem_shared>> -> memref<800xf32, #tpu.memory_space<vmem_shared>>
      tpu.enqueue_dma source(%dma_start3A_61 : memref<800xf32, #tpu.memory_space<vmem_shared>>) target(%arg28 : memref<800xf32, #tpu.memory_space<vmem>>) target_semaphore(%run_scoped3A : memref<!tpu.dma_semaphore, #tpu.memory_space<semaphore_mem>>)
      %dma_wait3A = tpu.memref_slice %arg30[%mul3A_0] : memref<13312xf32, #tpu.memory_space<vmem_shared>> -> memref<800xf32, #tpu.memory_space<vmem_shared>>
      %dma_wait3A_62 = tpu.memref_slice %arg30[%mul3A_0] : memref<13312xf32, #tpu.memory_space<vmem_shared>> -> memref<800xf32, #tpu.memory_space<vmem_shared>>
      tpu.wait_dma2 semaphore(%run_scoped3A : memref<!tpu.dma_semaphore, #tpu.memory_space<semaphore_mem>>) src(%dma_wait3A_62 : memref<800xf32, #tpu.memory_space<vmem_shared>>) dst(%arg28 : memref<800xf32, #tpu.memory_space<vmem>>)
      tpu.yield
    }) : () -> ()
    %add3A_39 = arith.addi %mul3A_24, %mul3A_0 : i32
    "tpu.region"() ({
      %run_scoped3A = tpu.sem_alloc : memref<!tpu.dma_semaphore, #tpu.memory_space<semaphore_mem>>
      %dma_start3A = tpu.memref_slice %arg14[%add3A_39] : memref<51200xf32, #tpu.memory_space<hbm>> -> memref<800xf32, #tpu.memory_space<hbm>>
      %dma_start3A_61 = tpu.memref_slice %arg14[%add3A_39] : memref<51200xf32, #tpu.memory_space<hbm>> -> memref<800xf32, #tpu.memory_space<hbm>>
      tpu.enqueue_dma source(%arg28 : memref<800xf32, #tpu.memory_space<vmem>>) target(%dma_start3A_61 : memref<800xf32, #tpu.memory_space<hbm>>) target_semaphore(%run_scoped3A : memref<!tpu.dma_semaphore, #tpu.memory_space<semaphore_mem>>)
      %dma_wait3A = tpu.memref_slice %arg14[%add3A_39] : memref<51200xf32, #tpu.memory_space<hbm>> -> memref<800xf32, #tpu.memory_space<hbm>>
      %dma_wait3A_62 = tpu.memref_slice %arg14[%add3A_39] : memref<51200xf32, #tpu.memory_space<hbm>> -> memref<800xf32, #tpu.memory_space<hbm>>
      tpu.wait_dma2 semaphore(%run_scoped3A : memref<!tpu.dma_semaphore, #tpu.memory_space<semaphore_mem>>) src(%arg28 : memref<800xf32, #tpu.memory_space<vmem>>) dst(%dma_wait3A_62 : memref<800xf32, #tpu.memory_space<hbm>>)
      tpu.yield
    }) : () -> ()
    %mul3A_40 = arith.constant 160000 : i32
    %mul3A_41 = arith.muli %arg0, %mul3A_40 : i32
    %mul3A_42 = arith.constant 10000 : i32
    %mul3A_43 = arith.muli %arg1, %mul3A_42 : i32
    %add3A_44 = arith.addi %mul3A_41, %mul3A_43 : i32
    "tpu.region"() ({
      %run_scoped3A = tpu.sem_alloc : memref<!tpu.dma_semaphore, #tpu.memory_space<semaphore_mem>>
      %dma_start3A = arith.constant 0 : i32
      %dma_start3A_61 = tpu.memref_slice %arg29[%mul3A_0, %dma_start3A] : memref<13312x128xf32, #tpu.memory_space<vmem_shared>> -> memref<800x128xf32, #tpu.memory_space<vmem_shared>>
      %dma_start3A_62 = arith.constant 0 : i32
      %dma_start3A_63 = arith.constant 0 : i32
      %dma_start3A_64 = tpu.memref_slice %arg10[%dma_start3A_62, %dma_start3A_63] : memref<800x128xf32, #tpu.memory_space<hbm>> -> memref<800x128xf32, #tpu.memory_space<hbm>>
      tpu.enqueue_dma source(%dma_start3A_64 : memref<800x128xf32, #tpu.memory_space<hbm>>) target(%dma_start3A_61 : memref<800x128xf32, #tpu.memory_space<vmem_shared>>) target_semaphore(%run_scoped3A : memref<!tpu.dma_semaphore, #tpu.memory_space<semaphore_mem>>)
      %dma_wait3A = arith.constant 0 : i32
      %dma_wait3A_65 = tpu.memref_slice %arg29[%mul3A_0, %dma_wait3A] : memref<13312x128xf32, #tpu.memory_space<vmem_shared>> -> memref<800x128xf32, #tpu.memory_space<vmem_shared>>
      %dma_wait3A_66 = arith.constant 0 : i32
      %dma_wait3A_67 = arith.constant 0 : i32
      %dma_wait3A_68 = tpu.memref_slice %arg10[%dma_wait3A_66, %dma_wait3A_67] : memref<800x128xf32, #tpu.memory_space<hbm>> -> memref<800x128xf32, #tpu.memory_space<hbm>>
      tpu.wait_dma2 semaphore(%run_scoped3A : memref<!tpu.dma_semaphore, #tpu.memory_space<semaphore_mem>>) src(%dma_wait3A_68 : memref<800x128xf32, #tpu.memory_space<hbm>>) dst(%dma_wait3A_65 : memref<800x128xf32, #tpu.memory_space<vmem_shared>>)
      tpu.yield
    }) : () -> ()
    "tpu.region"() ({
      %run_scoped3A = tpu.sem_alloc : memref<!tpu.dma_semaphore, #tpu.memory_space<semaphore_mem>>
      %dma_start3A = arith.constant 0 : i32
      %dma_start3A_61 = tpu.memref_slice %arg11[%dma_start3A] : memref<800xf32, #tpu.memory_space<hbm>> -> memref<800xf32, #tpu.memory_space<hbm>>
      %dma_start3A_62 = arith.constant 0 : i32
      %dma_start3A_63 = tpu.memref_slice %arg11[%dma_start3A_62] : memref<800xf32, #tpu.memory_space<hbm>> -> memref<800xf32, #tpu.memory_space<hbm>>
      tpu.enqueue_dma source(%dma_start3A_63 : memref<800xf32, #tpu.memory_space<hbm>>) target(%arg28 : memref<800xf32, #tpu.memory_space<vmem>>) target_semaphore(%run_scoped3A : memref<!tpu.dma_semaphore, #tpu.memory_space<semaphore_mem>>)
      %dma_wait3A = arith.constant 0 : i32
      %dma_wait3A_64 = tpu.memref_slice %arg11[%dma_wait3A] : memref<800xf32, #tpu.memory_space<hbm>> -> memref<800xf32, #tpu.memory_space<hbm>>
      %dma_wait3A_65 = arith.constant 0 : i32
      %dma_wait3A_66 = tpu.memref_slice %arg11[%dma_wait3A_65] : memref<800xf32, #tpu.memory_space<hbm>> -> memref<800xf32, #tpu.memory_space<hbm>>
      tpu.wait_dma2 semaphore(%run_scoped3A : memref<!tpu.dma_semaphore, #tpu.memory_space<semaphore_mem>>) src(%dma_wait3A_66 : memref<800xf32, #tpu.memory_space<hbm>>) dst(%arg28 : memref<800xf32, #tpu.memory_space<vmem>>)
      tpu.yield
    }) : () -> ()
    "tpu.region"() ({
      %run_scoped3A = tpu.sem_alloc : memref<!tpu.dma_semaphore, #tpu.memory_space<semaphore_mem>>
      %dma_start3A = tpu.memref_slice %arg30[%mul3A_0] : memref<13312xf32, #tpu.memory_space<vmem_shared>> -> memref<800xf32, #tpu.memory_space<vmem_shared>>
      %dma_start3A_61 = tpu.memref_slice %arg30[%mul3A_0] : memref<13312xf32, #tpu.memory_space<vmem_shared>> -> memref<800xf32, #tpu.memory_space<vmem_shared>>
      tpu.enqueue_dma source(%arg28 : memref<800xf32, #tpu.memory_space<vmem>>) target(%dma_start3A_61 : memref<800xf32, #tpu.memory_space<vmem_shared>>) target_semaphore(%run_scoped3A : memref<!tpu.dma_semaphore, #tpu.memory_space<semaphore_mem>>)
      %dma_wait3A = tpu.memref_slice %arg30[%mul3A_0] : memref<13312xf32, #tpu.memory_space<vmem_shared>> -> memref<800xf32, #tpu.memory_space<vmem_shared>>
      %dma_wait3A_62 = tpu.memref_slice %arg30[%mul3A_0] : memref<13312xf32, #tpu.memory_space<vmem_shared>> -> memref<800xf32, #tpu.memory_space<vmem_shared>>
      tpu.wait_dma2 semaphore(%run_scoped3A : memref<!tpu.dma_semaphore, #tpu.memory_space<semaphore_mem>>) src(%arg28 : memref<800xf32, #tpu.memory_space<vmem>>) dst(%dma_wait3A_62 : memref<800xf32, #tpu.memory_space<vmem_shared>>)
      tpu.yield
    }) : () -> ()
    %barrier3A_45 = arith.constant 0 : index
    tpu.barrier barrier_id(%barrier3A_45)
    %scan3A_46 = arith.constant 0 : i32
    %scan3A_47 = arith.constant 0 : i32
    %scan3A_48 = arith.constant 5 : i32
    %scan3A_49 = arith.addi %scan3A_47, %scan3A_48 : i32
    %scan3A_50 = arith.constant 1 : i32
    %scan3A_51 = scf.for %scan3A_61 = %scan3A_47 to %scan3A_49 step %scan3A_50 iter_args(%scan3A_62 = %scan3A_46) -> (i32)  : i32 {
      %mul3A_63 = arith.constant 2000 : i32
      %mul3A_64 = arith.muli %scan3A_61, %mul3A_63 : i32
      %add3A_65 = arith.addi %add3A_44, %mul3A_64 : i32
      "tpu.region"() ({
        %run_scoped3A = tpu.sem_alloc : memref<!tpu.dma_semaphore, #tpu.memory_space<semaphore_mem>>
        %dma_start3A = tpu.memref_slice %arg7[%add3A_65] : memref<320000xi32, #tpu.memory_space<hbm>> -> memref<2000xi32, #tpu.memory_space<hbm>>
        %dma_start3A_81 = tpu.memref_slice %arg7[%add3A_65] : memref<320000xi32, #tpu.memory_space<hbm>> -> memref<2000xi32, #tpu.memory_space<hbm>>
        tpu.enqueue_dma source(%dma_start3A_81 : memref<2000xi32, #tpu.memory_space<hbm>>) target(%arg19 : memref<2000xi32, #tpu.memory_space<vmem>>) target_semaphore(%run_scoped3A : memref<!tpu.dma_semaphore, #tpu.memory_space<semaphore_mem>>)
        %dma_wait3A = tpu.memref_slice %arg7[%add3A_65] : memref<320000xi32, #tpu.memory_space<hbm>> -> memref<2000xi32, #tpu.memory_space<hbm>>
        %dma_wait3A_82 = tpu.memref_slice %arg7[%add3A_65] : memref<320000xi32, #tpu.memory_space<hbm>> -> memref<2000xi32, #tpu.memory_space<hbm>>
        tpu.wait_dma2 semaphore(%run_scoped3A : memref<!tpu.dma_semaphore, #tpu.memory_space<semaphore_mem>>) src(%dma_wait3A_82 : memref<2000xi32, #tpu.memory_space<hbm>>) dst(%arg19 : memref<2000xi32, #tpu.memory_space<vmem>>)
        tpu.yield
      }) : () -> ()
      "tpu.region"() ({
        %run_scoped3A = tpu.sem_alloc : memref<!tpu.dma_semaphore, #tpu.memory_space<semaphore_mem>>
        %dma_start3A = tpu.memref_slice %arg8[%add3A_65] : memref<320000xi32, #tpu.memory_space<hbm>> -> memref<2000xi32, #tpu.memory_space<hbm>>
        %dma_start3A_81 = tpu.memref_slice %arg8[%add3A_65] : memref<320000xi32, #tpu.memory_space<hbm>> -> memref<2000xi32, #tpu.memory_space<hbm>>
        tpu.enqueue_dma source(%dma_start3A_81 : memref<2000xi32, #tpu.memory_space<hbm>>) target(%arg20 : memref<2000xi32, #tpu.memory_space<vmem>>) target_semaphore(%run_scoped3A : memref<!tpu.dma_semaphore, #tpu.memory_space<semaphore_mem>>)
        %dma_wait3A = tpu.memref_slice %arg8[%add3A_65] : memref<320000xi32, #tpu.memory_space<hbm>> -> memref<2000xi32, #tpu.memory_space<hbm>>
        %dma_wait3A_82 = tpu.memref_slice %arg8[%add3A_65] : memref<320000xi32, #tpu.memory_space<hbm>> -> memref<2000xi32, #tpu.memory_space<hbm>>
        tpu.wait_dma2 semaphore(%run_scoped3A : memref<!tpu.dma_semaphore, #tpu.memory_space<semaphore_mem>>) src(%dma_wait3A_82 : memref<2000xi32, #tpu.memory_space<hbm>>) dst(%arg20 : memref<2000xi32, #tpu.memory_space<vmem>>)
        tpu.yield
      }) : () -> ()
      "tpu.region"() ({
        %run_scoped3A = tpu.sem_alloc : memref<!tpu.dma_semaphore, #tpu.memory_space<semaphore_mem>>
        %dma_start3A = tpu.memref_slice %arg9[%add3A_65] : memref<320000xf32, #tpu.memory_space<hbm>> -> memref<2000xf32, #tpu.memory_space<hbm>>
        %dma_start3A_81 = tpu.memref_slice %arg9[%add3A_65] : memref<320000xf32, #tpu.memory_space<hbm>> -> memref<2000xf32, #tpu.memory_space<hbm>>
        tpu.enqueue_dma source(%dma_start3A_81 : memref<2000xf32, #tpu.memory_space<hbm>>) target(%arg21 : memref<2000xf32, #tpu.memory_space<vmem>>) target_semaphore(%run_scoped3A : memref<!tpu.dma_semaphore, #tpu.memory_space<semaphore_mem>>)
        %dma_wait3A = tpu.memref_slice %arg9[%add3A_65] : memref<320000xf32, #tpu.memory_space<hbm>> -> memref<2000xf32, #tpu.memory_space<hbm>>
        %dma_wait3A_82 = tpu.memref_slice %arg9[%add3A_65] : memref<320000xf32, #tpu.memory_space<hbm>> -> memref<2000xf32, #tpu.memory_space<hbm>>
        tpu.wait_dma2 semaphore(%run_scoped3A : memref<!tpu.dma_semaphore, #tpu.memory_space<semaphore_mem>>) src(%dma_wait3A_82 : memref<2000xf32, #tpu.memory_space<hbm>>) dst(%arg21 : memref<2000xf32, #tpu.memory_space<vmem>>)
        tpu.yield
      }) : () -> ()
      %scan3A_66 = arith.constant 0 : i32
      %scan3A_67 = arith.constant 0 : i32
      %scan3A_68 = arith.constant 125 : i32
      %scan3A_69 = arith.addi %scan3A_67, %scan3A_68 : i32
      %scan3A_70 = arith.constant 1 : i32
      %scan3A_71 = scf.for %scan3A_81 = %scan3A_67 to %scan3A_69 step %scan3A_70 iter_args(%scan3A_82 = %scan3A_66) -> (i32)  : i32 {
        %mul3A_83 = arith.constant 16 : i32
        %mul3A_84 = arith.muli %scan3A_81, %mul3A_83 : i32
        %get3A = arith.index_cast %mul3A_84 : i32 to index
        %get3A_85 = tpu.vector_load %arg19[%get3A] {strides = array<i32>} : memref<2000xi32, #tpu.memory_space<vmem>>, vector<16xi32>,
        %get3A_86 = vector.shape_cast %get3A_85 : vector<16xi32> to vector<16xi32>
        %get3A_87 = arith.index_cast %mul3A_84 : i32 to index
        %get3A_88 = tpu.vector_load %arg20[%get3A_87] {strides = array<i32>} : memref<2000xi32, #tpu.memory_space<vmem>>, vector<16xi32>,
        %get3A_89 = vector.shape_cast %get3A_88 : vector<16xi32> to vector<16xi32>
        %get3A_90 = arith.index_cast %mul3A_84 : i32 to index
        %get3A_91 = tpu.vector_load %arg21[%get3A_90] {strides = array<i32>} : memref<2000xf32, #tpu.memory_space<vmem>>, vector<16xf32>,
        %get3A_92 = vector.shape_cast %get3A_91 : vector<16xf32> to vector<16xf32>
        %ge3A = arith.constant 0 : i32
        %ge3A_93 = vector.broadcast %ge3A : i32 to vector<16xi32>
        %ge3A_94 = arith.cmpi sge, %get3A_89, %ge3A_93 : vector<16xi32>
        %lt3A = arith.constant 12800 : i32
        %lt3A_95 = vector.broadcast %lt3A : i32 to vector<16xi32>
        %lt3A_96 = arith.cmpi slt, %get3A_89, %lt3A_95 : vector<16xi32>
        %and3A = arith.andi %ge3A_94, %lt3A_96 : vector<16xi1>
        %gt3A = arith.constant 5.000000e-01 : f32
        %gt3A_97 = vector.broadcast %gt3A : f32 to vector<16xf32>
        %gt3A_98 = arith.cmpf ogt, %get3A_92, %gt3A_97 : vector<16xf32>
        %and3A_99 = arith.andi %and3A, %gt3A_98 : vector<16xi1>
        %jit3A = arith.constant 0 : i32
        %broadcast_in_dim3A = vector.broadcast %jit3A : i32 to vector<16xi32>
        %select_n3A = arith.select %and3A_99, %get3A_86, %broadcast_in_dim3A : vector<16xi1>, vector<16xi32>
        %swap3A = arith.index_cast %mul3A_84 : i32 to index
        %swap3A_100 = tpu.vector_load %arg22[%swap3A] {strides = array<i32>} : memref<2000xi32, #tpu.memory_space<vmem>>, vector<16xi32>,
        %swap3A_101 = vector.shape_cast %swap3A_100 : vector<16xi32> to vector<16xi32>
        %swap3A_102 = vector.shape_cast %select_n3A : vector<16xi32> to vector<16xi32>
        tpu.vector_store %arg22[%swap3A], %swap3A_102 {strides = array<i32>} : memref<2000xi32, #tpu.memory_space<vmem>>, vector<16xi32>,
        %sub3A = arith.constant 0 : i32
        %sub3A_103 = vector.broadcast %sub3A : i32 to vector<16xi32>
        %sub3A_104 = arith.subi %get3A_89, %sub3A_103 : vector<16xi32>
        %and3A_105 = arith.constant 511 : i32
        %and3A_106 = vector.broadcast %and3A_105 : i32 to vector<16xi32>
        %and3A_107 = arith.andi %get3A_86, %and3A_106 : vector<16xi32>
        %add3A_108 = arith.constant 12800 : i32
        %add3A_109 = vector.broadcast %add3A_108 : i32 to vector<16xi32>
        %add3A_110 = arith.addi %add3A_109, %and3A_107 : vector<16xi32>
        %select_n3A_111 = arith.select %and3A_99, %sub3A_104, %add3A_110 : vector<16xi1>, vector<16xi32>
        %swap3A_112 = arith.index_cast %mul3A_84 : i32 to index
        %swap3A_113 = tpu.vector_load %arg23[%swap3A_112] {strides = array<i32>} : memref<2000xi32, #tpu.memory_space<vmem>>, vector<16xi32>,
        %swap3A_114 = vector.shape_cast %swap3A_113 : vector<16xi32> to vector<16xi32>
        %swap3A_115 = vector.shape_cast %select_n3A_111 : vector<16xi32> to vector<16xi32>
        tpu.vector_store %arg23[%swap3A_112], %swap3A_115 {strides = array<i32>} : memref<2000xi32, #tpu.memory_space<vmem>>, vector<16xi32>,
        %scan3A_116 = arith.constant 0 : i32
        scf.yield %scan3A_116 : i32
      }
      %scan3A_72 = arith.constant 125 : i32
      %scan3A_73 = arith.constant 0 : i32
      %scan3A_74 = arith.constant 0 : i32
      %scan3A_75 = arith.constant 25 : i32
      %scan3A_76 = arith.addi %scan3A_74, %scan3A_75 : i32
      %scan3A_77 = arith.constant 1 : i32
      %scan3A_78 = scf.for %scan3A_81 = %scan3A_74 to %scan3A_76 step %scan3A_77 iter_args(%scan3A_82 = %scan3A_73) -> (i32)  : i32 {
        %mul3A_83 = arith.constant 80 : i32
        %mul3A_84 = arith.muli %scan3A_81, %mul3A_83 : i32
        %add3A_85 = arith.constant 0 : i32
        %add3A_86 = arith.addi %mul3A_84, %add3A_85 : i32
        %get3A = arith.index_cast %add3A_86 : i32 to index
        %get3A_87 = tpu.vector_load %arg22[%get3A] {strides = array<i32>} : memref<2000xi32, #tpu.memory_space<vmem>>, vector<16xi32>,
        %get3A_88 = vector.shape_cast %get3A_87 : vector<16xi32> to vector<16xi32>
        %swap3A = arith.constant 0 : index
        %swap3A_89 = tpu.vector_load %arg24[%swap3A] {strides = array<i32>} : memref<80xi32, #tpu.memory_space<vmem>>, vector<16xi32>,
        %swap3A_90 = vector.shape_cast %swap3A_89 : vector<16xi32> to vector<16xi32>
        %swap3A_91 = vector.shape_cast %get3A_88 : vector<16xi32> to vector<16xi32>
        tpu.vector_store %arg24[%swap3A], %swap3A_91 {strides = array<i32>} : memref<80xi32, #tpu.memory_space<vmem>>, vector<16xi32>,
        %add3A_92 = arith.constant 0 : i32
        %add3A_93 = arith.addi %mul3A_84, %add3A_92 : i32
        %get3A_94 = arith.index_cast %add3A_93 : i32 to index
        %get3A_95 = tpu.vector_load %arg23[%get3A_94] {strides = array<i32>} : memref<2000xi32, #tpu.memory_space<vmem>>, vector<16xi32>,
        %get3A_96 = vector.shape_cast %get3A_95 : vector<16xi32> to vector<16xi32>
        %swap3A_97 = arith.constant 0 : index
        %swap3A_98 = tpu.vector_load %arg25[%swap3A_97] {strides = array<i32>} : memref<80xi32, #tpu.memory_space<vmem>>, vector<16xi32>,
        %swap3A_99 = vector.shape_cast %swap3A_98 : vector<16xi32> to vector<16xi32>
        %swap3A_100 = vector.shape_cast %get3A_96 : vector<16xi32> to vector<16xi32>
        tpu.vector_store %arg25[%swap3A_97], %swap3A_100 {strides = array<i32>} : memref<80xi32, #tpu.memory_space<vmem>>, vector<16xi32>,
        %add3A_101 = arith.constant 16 : i32
        %add3A_102 = arith.addi %mul3A_84, %add3A_101 : i32
        %get3A_103 = arith.index_cast %add3A_102 : i32 to index
        %get3A_104 = tpu.vector_load %arg22[%get3A_103] {strides = array<i32>} : memref<2000xi32, #tpu.memory_space<vmem>>, vector<16xi32>,
        %get3A_105 = vector.shape_cast %get3A_104 : vector<16xi32> to vector<16xi32>
        %swap3A_106 = arith.constant 16 : index
        %swap3A_107 = tpu.vector_load %arg24[%swap3A_106] {strides = array<i32>} : memref<80xi32, #tpu.memory_space<vmem>>, vector<16xi32>,
        %swap3A_108 = vector.shape_cast %swap3A_107 : vector<16xi32> to vector<16xi32>
        %swap3A_109 = vector.shape_cast %get3A_105 : vector<16xi32> to vector<16xi32>
        tpu.vector_store %arg24[%swap3A_106], %swap3A_109 {strides = array<i32>} : memref<80xi32, #tpu.memory_space<vmem>>, vector<16xi32>,
        %add3A_110 = arith.constant 16 : i32
        %add3A_111 = arith.addi %mul3A_84, %add3A_110 : i32
        %get3A_112 = arith.index_cast %add3A_111 : i32 to index
        %get3A_113 = tpu.vector_load %arg23[%get3A_112] {strides = array<i32>} : memref<2000xi32, #tpu.memory_space<vmem>>, vector<16xi32>,
        %get3A_114 = vector.shape_cast %get3A_113 : vector<16xi32> to vector<16xi32>
        %swap3A_115 = arith.constant 16 : index
        %swap3A_116 = tpu.vector_load %arg25[%swap3A_115] {strides = array<i32>} : memref<80xi32, #tpu.memory_space<vmem>>, vector<16xi32>,
        %swap3A_117 = vector.shape_cast %swap3A_116 : vector<16xi32> to vector<16xi32>
        %swap3A_118 = vector.shape_cast %get3A_114 : vector<16xi32> to vector<16xi32>
        tpu.vector_store %arg25[%swap3A_115], %swap3A_118 {strides = array<i32>} : memref<80xi32, #tpu.memory_space<vmem>>, vector<16xi32>,
        %add3A_119 = arith.constant 32 : i32
        %add3A_120 = arith.addi %mul3A_84, %add3A_119 : i32
        %get3A_121 = arith.index_cast %add3A_120 : i32 to index
        %get3A_122 = tpu.vector_load %arg22[%get3A_121] {strides = array<i32>} : memref<2000xi32, #tpu.memory_space<vmem>>, vector<16xi32>,
        %get3A_123 = vector.shape_cast %get3A_122 : vector<16xi32> to vector<16xi32>
        %swap3A_124 = arith.constant 32 : index
        %swap3A_125 = tpu.vector_load %arg24[%swap3A_124] {strides = array<i32>} : memref<80xi32, #tpu.memory_space<vmem>>, vector<16xi32>,
        %swap3A_126 = vector.shape_cast %swap3A_125 : vector<16xi32> to vector<16xi32>
        %swap3A_127 = vector.shape_cast %get3A_123 : vector<16xi32> to vector<16xi32>
        tpu.vector_store %arg24[%swap3A_124], %swap3A_127 {strides = array<i32>} : memref<80xi32, #tpu.memory_space<vmem>>, vector<16xi32>,
        %add3A_128 = arith.constant 32 : i32
        %add3A_129 = arith.addi %mul3A_84, %add3A_128 : i32
        %get3A_130 = arith.index_cast %add3A_129 : i32 to index
        %get3A_131 = tpu.vector_load %arg23[%get3A_130] {strides = array<i32>} : memref<2000xi32, #tpu.memory_space<vmem>>, vector<16xi32>,
        %get3A_132 = vector.shape_cast %get3A_131 : vector<16xi32> to vector<16xi32>
        %swap3A_133 = arith.constant 32 : index
        %swap3A_134 = tpu.vector_load %arg25[%swap3A_133] {strides = array<i32>} : memref<80xi32, #tpu.memory_space<vmem>>, vector<16xi32>,
        %swap3A_135 = vector.shape_cast %swap3A_134 : vector<16xi32> to vector<16xi32>
        %swap3A_136 = vector.shape_cast %get3A_132 : vector<16xi32> to vector<16xi32>
        tpu.vector_store %arg25[%swap3A_133], %swap3A_136 {strides = array<i32>} : memref<80xi32, #tpu.memory_space<vmem>>, vector<16xi32>,
        %add3A_137 = arith.constant 48 : i32
        %add3A_138 = arith.addi %mul3A_84, %add3A_137 : i32
        %get3A_139 = arith.index_cast %add3A_138 : i32 to index
        %get3A_140 = tpu.vector_load %arg22[%get3A_139] {strides = array<i32>} : memref<2000xi32, #tpu.memory_space<vmem>>, vector<16xi32>,
        %get3A_141 = vector.shape_cast %get3A_140 : vector<16xi32> to vector<16xi32>
        %swap3A_142 = arith.constant 48 : index
        %swap3A_143 = tpu.vector_load %arg24[%swap3A_142] {strides = array<i32>} : memref<80xi32, #tpu.memory_space<vmem>>, vector<16xi32>,
        %swap3A_144 = vector.shape_cast %swap3A_143 : vector<16xi32> to vector<16xi32>
        %swap3A_145 = vector.shape_cast %get3A_141 : vector<16xi32> to vector<16xi32>
        tpu.vector_store %arg24[%swap3A_142], %swap3A_145 {strides = array<i32>} : memref<80xi32, #tpu.memory_space<vmem>>, vector<16xi32>,
        %add3A_146 = arith.constant 48 : i32
        %add3A_147 = arith.addi %mul3A_84, %add3A_146 : i32
        %get3A_148 = arith.index_cast %add3A_147 : i32 to index
        %get3A_149 = tpu.vector_load %arg23[%get3A_148] {strides = array<i32>} : memref<2000xi32, #tpu.memory_space<vmem>>, vector<16xi32>,
        %get3A_150 = vector.shape_cast %get3A_149 : vector<16xi32> to vector<16xi32>
        %swap3A_151 = arith.constant 48 : index
        %swap3A_152 = tpu.vector_load %arg25[%swap3A_151] {strides = array<i32>} : memref<80xi32, #tpu.memory_space<vmem>>, vector<16xi32>,
        %swap3A_153 = vector.shape_cast %swap3A_152 : vector<16xi32> to vector<16xi32>
        %swap3A_154 = vector.shape_cast %get3A_150 : vector<16xi32> to vector<16xi32>
        tpu.vector_store %arg25[%swap3A_151], %swap3A_154 {strides = array<i32>} : memref<80xi32, #tpu.memory_space<vmem>>, vector<16xi32>,
        %add3A_155 = arith.constant 64 : i32
        %add3A_156 = arith.addi %mul3A_84, %add3A_155 : i32
        %get3A_157 = arith.index_cast %add3A_156 : i32 to index
        %get3A_158 = tpu.vector_load %arg22[%get3A_157] {strides = array<i32>} : memref<2000xi32, #tpu.memory_space<vmem>>, vector<16xi32>,
        %get3A_159 = vector.shape_cast %get3A_158 : vector<16xi32> to vector<16xi32>
        %swap3A_160 = arith.constant 64 : index
        %swap3A_161 = tpu.vector_load %arg24[%swap3A_160] {strides = array<i32>} : memref<80xi32, #tpu.memory_space<vmem>>, vector<16xi32>,
        %swap3A_162 = vector.shape_cast %swap3A_161 : vector<16xi32> to vector<16xi32>
        %swap3A_163 = vector.shape_cast %get3A_159 : vector<16xi32> to vector<16xi32>
        tpu.vector_store %arg24[%swap3A_160], %swap3A_163 {strides = array<i32>} : memref<80xi32, #tpu.memory_space<vmem>>, vector<16xi32>,
        %add3A_164 = arith.constant 64 : i32
        %add3A_165 = arith.addi %mul3A_84, %add3A_164 : i32
        %get3A_166 = arith.index_cast %add3A_165 : i32 to index
        %get3A_167 = tpu.vector_load %arg23[%get3A_166] {strides = array<i32>} : memref<2000xi32, #tpu.memory_space<vmem>>, vector<16xi32>,
        %get3A_168 = vector.shape_cast %get3A_167 : vector<16xi32> to vector<16xi32>
        %swap3A_169 = arith.constant 64 : index
        %swap3A_170 = tpu.vector_load %arg25[%swap3A_169] {strides = array<i32>} : memref<80xi32, #tpu.memory_space<vmem>>, vector<16xi32>,
        %swap3A_171 = vector.shape_cast %swap3A_170 : vector<16xi32> to vector<16xi32>
        %swap3A_172 = vector.shape_cast %get3A_168 : vector<16xi32> to vector<16xi32>
        tpu.vector_store %arg25[%swap3A_169], %swap3A_172 {strides = array<i32>} : memref<80xi32, #tpu.memory_space<vmem>>, vector<16xi32>,
        %dma_start3A = arith.constant 0 : i32
        %dma_start3A_173 = arith.constant 0 : i32
        %dma_start3A_174 = tpu.memref_slice %arg3[%dma_start3A, %dma_start3A_173] : memref<50000x128xf32, #tpu.memory_space<hbm>> -> memref<50000x128xf32, #tpu.memory_space<hbm>>
        tpu.enqueue_indirect_dma source(%dma_start3A_174 : memref<50000x128xf32, #tpu.memory_space<hbm>>) target(%arg26 : memref<80x128xf32, #tpu.memory_space<vmem>>) offsets(%arg24 : memref<80xi32, #tpu.memory_space<vmem>>) semaphore(%arg31 : memref<!tpu.dma_semaphore, #tpu.memory_space<semaphore_mem>>)
        %dma_wait3A = arith.constant 0 : i32
        %dma_wait3A_175 = arith.constant 0 : i32
        %dma_wait3A_176 = tpu.memref_slice %arg3[%dma_wait3A, %dma_wait3A_175] : memref<50000x128xf32, #tpu.memory_space<hbm>> -> memref<50000x128xf32, #tpu.memory_space<hbm>>
        tpu.wait_indirect_dma semaphore(%arg31 : memref<!tpu.dma_semaphore, #tpu.memory_space<semaphore_mem>>) src(%dma_wait3A_176 : memref<50000x128xf32, #tpu.memory_space<hbm>>) dst(%arg26 : memref<80x128xf32, #tpu.memory_space<vmem>>)
        "tpu.region"() ({
          %run_scoped3A = tpu.sem_alloc : memref<!tpu.dma_semaphore, #tpu.memory_space<semaphore_mem>>
          %dma_start3A_178 = arith.constant 0 : i32
          %dma_start3A_179 = arith.constant 0 : i32
          %dma_start3A_180 = tpu.memref_slice %arg29[%dma_start3A_178, %dma_start3A_179] : memref<13312x128xf32, #tpu.memory_space<vmem_shared>> -> memref<13312x128xf32, #tpu.memory_space<vmem_shared>>
          tpu.enqueue_indirect_dma source(%arg26 : memref<80x128xf32, #tpu.memory_space<vmem>>) target(%dma_start3A_180 : memref<13312x128xf32, #tpu.memory_space<vmem_shared>>) offsets(%arg25 : memref<80xi32, #tpu.memory_space<vmem>>) semaphore(%run_scoped3A : memref<!tpu.dma_semaphore, #tpu.memory_space<semaphore_mem>>) {add = true}
          %dma_wait3A_181 = arith.constant 0 : i32
          %dma_wait3A_182 = arith.constant 0 : i32
          %dma_wait3A_183 = tpu.memref_slice %arg29[%dma_wait3A_181, %dma_wait3A_182] : memref<13312x128xf32, #tpu.memory_space<vmem_shared>> -> memref<13312x128xf32, #tpu.memory_space<vmem_shared>>
          tpu.wait_indirect_dma semaphore(%run_scoped3A : memref<!tpu.dma_semaphore, #tpu.memory_space<semaphore_mem>>) src(%arg26 : memref<80x128xf32, #tpu.memory_space<vmem>>) dst(%dma_wait3A_183 : memref<13312x128xf32, #tpu.memory_space<vmem_shared>>)
          tpu.yield
        }) : () -> ()
        "tpu.region"() ({
          %run_scoped3A = tpu.sem_alloc : memref<!tpu.dma_semaphore, #tpu.memory_space<semaphore_mem>>
          %dma_start3A_178 = arith.constant 0 : i32
          %dma_start3A_179 = tpu.memref_slice %arg30[%dma_start3A_178] : memref<13312xf32, #tpu.memory_space<vmem_shared>> -> memref<13312xf32, #tpu.memory_space<vmem_shared>>
          tpu.enqueue_indirect_dma source(%arg27 : memref<80xf32, #tpu.memory_space<vmem>>) target(%dma_start3A_179 : memref<13312xf32, #tpu.memory_space<vmem_shared>>) offsets(%arg25 : memref<80xi32, #tpu.memory_space<vmem>>) semaphore(%run_scoped3A : memref<!tpu.dma_semaphore, #tpu.memory_space<semaphore_mem>>) {add = true}
          %dma_wait3A_180 = arith.constant 0 : i32
          %dma_wait3A_181 = tpu.memref_slice %arg30[%dma_wait3A_180] : memref<13312xf32, #tpu.memory_space<vmem_shared>> -> memref<13312xf32, #tpu.memory_space<vmem_shared>>
          tpu.wait_indirect_dma semaphore(%run_scoped3A : memref<!tpu.dma_semaphore, #tpu.memory_space<semaphore_mem>>) src(%arg27 : memref<80xf32, #tpu.memory_space<vmem>>) dst(%dma_wait3A_181 : memref<13312xf32, #tpu.memory_space<vmem_shared>>)
          tpu.yield
        }) : () -> ()
        %scan3A_177 = arith.constant 0 : i32
        scf.yield %scan3A_177 : i32
      }
      %scan3A_79 = arith.constant 25 : i32
      %scan3A_80 = arith.constant 0 : i32
      scf.yield %scan3A_80 : i32
    }
    %scan3A_52 = arith.constant 5 : i32
    %barrier3A_53 = arith.constant 0 : index
    tpu.barrier barrier_id(%barrier3A_53)
    %eq3A = arith.constant 0 : i32
    %eq3A_54 = arith.cmpi eq, %arg0, %eq3A : i32
    %convert_element_type3A = arith.extui %eq3A_54 : i1 to i32
    %cond3A = arith.constant 0 : i32
    %cond3A_55 = arith.cmpi ne, %convert_element_type3A, %cond3A : i32
    scf.if %cond3A_55 {
      "tpu.region"() ({
        %run_scoped3A = tpu.sem_alloc : memref<!tpu.dma_semaphore, #tpu.memory_space<semaphore_mem>>
        %dma_start3A = arith.constant 0 : i32
        %dma_start3A_61 = tpu.memref_slice %arg15[%mul3A_0, %dma_start3A] : memref<12800x128xf32, #tpu.memory_space<hbm>> -> memref<800x128xf32, #tpu.memory_space<hbm>>
        %dma_start3A_62 = arith.constant 0 : i32
        %dma_start3A_63 = tpu.memref_slice %arg29[%mul3A_0, %dma_start3A_62] : memref<13312x128xf32, #tpu.memory_space<vmem_shared>> -> memref<800x128xf32, #tpu.memory_space<vmem_shared>>
        tpu.enqueue_dma source(%dma_start3A_63 : memref<800x128xf32, #tpu.memory_space<vmem_shared>>) target(%dma_start3A_61 : memref<800x128xf32, #tpu.memory_space<hbm>>) target_semaphore(%run_scoped3A : memref<!tpu.dma_semaphore, #tpu.memory_space<semaphore_mem>>)
        %dma_wait3A = arith.constant 0 : i32
        %dma_wait3A_64 = tpu.memref_slice %arg15[%mul3A_0, %dma_wait3A] : memref<12800x128xf32, #tpu.memory_space<hbm>> -> memref<800x128xf32, #tpu.memory_space<hbm>>
        %dma_wait3A_65 = arith.constant 0 : i32
        %dma_wait3A_66 = tpu.memref_slice %arg29[%mul3A_0, %dma_wait3A_65] : memref<13312x128xf32, #tpu.memory_space<vmem_shared>> -> memref<800x128xf32, #tpu.memory_space<vmem_shared>>
        tpu.wait_dma2 semaphore(%run_scoped3A : memref<!tpu.dma_semaphore, #tpu.memory_space<semaphore_mem>>) src(%dma_wait3A_66 : memref<800x128xf32, #tpu.memory_space<vmem_shared>>) dst(%dma_wait3A_64 : memref<800x128xf32, #tpu.memory_space<hbm>>)
        tpu.yield
      }) : () -> ()
      "tpu.region"() ({
        %run_scoped3A = tpu.sem_alloc : memref<!tpu.dma_semaphore, #tpu.memory_space<semaphore_mem>>
        %dma_start3A = tpu.memref_slice %arg30[%mul3A_0] : memref<13312xf32, #tpu.memory_space<vmem_shared>> -> memref<800xf32, #tpu.memory_space<vmem_shared>>
        %dma_start3A_61 = tpu.memref_slice %arg30[%mul3A_0] : memref<13312xf32, #tpu.memory_space<vmem_shared>> -> memref<800xf32, #tpu.memory_space<vmem_shared>>
        tpu.enqueue_dma source(%dma_start3A_61 : memref<800xf32, #tpu.memory_space<vmem_shared>>) target(%arg28 : memref<800xf32, #tpu.memory_space<vmem>>) target_semaphore(%run_scoped3A : memref<!tpu.dma_semaphore, #tpu.memory_space<semaphore_mem>>)
        %dma_wait3A = tpu.memref_slice %arg30[%mul3A_0] : memref<13312xf32, #tpu.memory_space<vmem_shared>> -> memref<800xf32, #tpu.memory_space<vmem_shared>>
        %dma_wait3A_62 = tpu.memref_slice %arg30[%mul3A_0] : memref<13312xf32, #tpu.memory_space<vmem_shared>> -> memref<800xf32, #tpu.memory_space<vmem_shared>>
        tpu.wait_dma2 semaphore(%run_scoped3A : memref<!tpu.dma_semaphore, #tpu.memory_space<semaphore_mem>>) src(%dma_wait3A_62 : memref<800xf32, #tpu.memory_space<vmem_shared>>) dst(%arg28 : memref<800xf32, #tpu.memory_space<vmem>>)
        tpu.yield
      }) : () -> ()
      "tpu.region"() ({
        %run_scoped3A = tpu.sem_alloc : memref<!tpu.dma_semaphore, #tpu.memory_space<semaphore_mem>>
        %dma_start3A = tpu.memref_slice %arg16[%mul3A_0] : memref<12800xf32, #tpu.memory_space<hbm>> -> memref<800xf32, #tpu.memory_space<hbm>>
        %dma_start3A_61 = tpu.memref_slice %arg16[%mul3A_0] : memref<12800xf32, #tpu.memory_space<hbm>> -> memref<800xf32, #tpu.memory_space<hbm>>
        tpu.enqueue_dma source(%arg28 : memref<800xf32, #tpu.memory_space<vmem>>) target(%dma_start3A_61 : memref<800xf32, #tpu.memory_space<hbm>>) target_semaphore(%run_scoped3A : memref<!tpu.dma_semaphore, #tpu.memory_space<semaphore_mem>>)
        %dma_wait3A = tpu.memref_slice %arg16[%mul3A_0] : memref<12800xf32, #tpu.memory_space<hbm>> -> memref<800xf32, #tpu.memory_space<hbm>>
        %dma_wait3A_62 = tpu.memref_slice %arg16[%mul3A_0] : memref<12800xf32, #tpu.memory_space<hbm>> -> memref<800xf32, #tpu.memory_space<hbm>>
        tpu.wait_dma2 semaphore(%run_scoped3A : memref<!tpu.dma_semaphore, #tpu.memory_space<semaphore_mem>>) src(%arg28 : memref<800xf32, #tpu.memory_space<vmem>>) dst(%dma_wait3A_62 : memref<800xf32, #tpu.memory_space<hbm>>)
        tpu.yield
      }) : () -> ()
    } else {
    }
    %eq3A_56 = arith.constant 1 : i32
    %eq3A_57 = arith.cmpi eq, %arg0, %eq3A_56 : i32
    %convert_element_type3A_58 = arith.extui %eq3A_57 : i1 to i32
    %cond3A_59 = arith.constant 0 : i32
    %cond3A_60 = arith.cmpi ne, %convert_element_type3A_58, %cond3A_59 : i32
    scf.if %cond3A_60 {
      "tpu.region"() ({
        %run_scoped3A = tpu.sem_alloc : memref<!tpu.dma_semaphore, #tpu.memory_space<semaphore_mem>>
        %dma_start3A = arith.constant 0 : i32
        %dma_start3A_61 = tpu.memref_slice %arg17[%mul3A_0, %dma_start3A] : memref<12800x128xf32, #tpu.memory_space<hbm>> -> memref<800x128xf32, #tpu.memory_space<hbm>>
        %dma_start3A_62 = arith.constant 0 : i32
        %dma_start3A_63 = tpu.memref_slice %arg29[%mul3A_0, %dma_start3A_62] : memref<13312x128xf32, #tpu.memory_space<vmem_shared>> -> memref<800x128xf32, #tpu.memory_space<vmem_shared>>
        tpu.enqueue_dma source(%dma_start3A_63 : memref<800x128xf32, #tpu.memory_space<vmem_shared>>) target(%dma_start3A_61 : memref<800x128xf32, #tpu.memory_space<hbm>>) target_semaphore(%run_scoped3A : memref<!tpu.dma_semaphore, #tpu.memory_space<semaphore_mem>>)
        %dma_wait3A = arith.constant 0 : i32
        %dma_wait3A_64 = tpu.memref_slice %arg17[%mul3A_0, %dma_wait3A] : memref<12800x128xf32, #tpu.memory_space<hbm>> -> memref<800x128xf32, #tpu.memory_space<hbm>>
        %dma_wait3A_65 = arith.constant 0 : i32
        %dma_wait3A_66 = tpu.memref_slice %arg29[%mul3A_0, %dma_wait3A_65] : memref<13312x128xf32, #tpu.memory_space<vmem_shared>> -> memref<800x128xf32, #tpu.memory_space<vmem_shared>>
        tpu.wait_dma2 semaphore(%run_scoped3A : memref<!tpu.dma_semaphore, #tpu.memory_space<semaphore_mem>>) src(%dma_wait3A_66 : memref<800x128xf32, #tpu.memory_space<vmem_shared>>) dst(%dma_wait3A_64 : memref<800x128xf32, #tpu.memory_space<hbm>>)
        tpu.yield
      }) : () -> ()
      "tpu.region"() ({
        %run_scoped3A = tpu.sem_alloc : memref<!tpu.dma_semaphore, #tpu.memory_space<semaphore_mem>>
        %dma_start3A = tpu.memref_slice %arg30[%mul3A_0] : memref<13312xf32, #tpu.memory_space<vmem_shared>> -> memref<800xf32, #tpu.memory_space<vmem_shared>>
        %dma_start3A_61 = tpu.memref_slice %arg30[%mul3A_0] : memref<13312xf32, #tpu.memory_space<vmem_shared>> -> memref<800xf32, #tpu.memory_space<vmem_shared>>
        tpu.enqueue_dma source(%dma_start3A_61 : memref<800xf32, #tpu.memory_space<vmem_shared>>) target(%arg28 : memref<800xf32, #tpu.memory_space<vmem>>) target_semaphore(%run_scoped3A : memref<!tpu.dma_semaphore, #tpu.memory_space<semaphore_mem>>)
        %dma_wait3A = tpu.memref_slice %arg30[%mul3A_0] : memref<13312xf32, #tpu.memory_space<vmem_shared>> -> memref<800xf32, #tpu.memory_space<vmem_shared>>
        %dma_wait3A_62 = tpu.memref_slice %arg30[%mul3A_0] : memref<13312xf32, #tpu.memory_space<vmem_shared>> -> memref<800xf32, #tpu.memory_space<vmem_shared>>
        tpu.wait_dma2 semaphore(%run_scoped3A : memref<!tpu.dma_semaphore, #tpu.memory_space<semaphore_mem>>) src(%dma_wait3A_62 : memref<800xf32, #tpu.memory_space<vmem_shared>>) dst(%arg28 : memref<800xf32, #tpu.memory_space<vmem>>)
        tpu.yield
      }) : () -> ()
      "tpu.region"() ({
        %run_scoped3A = tpu.sem_alloc : memref<!tpu.dma_semaphore, #tpu.memory_space<semaphore_mem>>
        %dma_start3A = tpu.memref_slice %arg18[%mul3A_0] : memref<12800xf32, #tpu.memory_space<hbm>> -> memref<800xf32, #tpu.memory_space<hbm>>
        %dma_start3A_61 = tpu.memref_slice %arg18[%mul3A_0] : memref<12800xf32, #tpu.memory_space<hbm>> -> memref<800xf32, #tpu.memory_space<hbm>>
        tpu.enqueue_dma source(%arg28 : memref<800xf32, #tpu.memory_space<vmem>>) target(%dma_start3A_61 : memref<800xf32, #tpu.memory_space<hbm>>) target_semaphore(%run_scoped3A : memref<!tpu.dma_semaphore, #tpu.memory_space<semaphore_mem>>)
        %dma_wait3A = tpu.memref_slice %arg18[%mul3A_0] : memref<12800xf32, #tpu.memory_space<hbm>> -> memref<800xf32, #tpu.memory_space<hbm>>
        %dma_wait3A_62 = tpu.memref_slice %arg18[%mul3A_0] : memref<12800xf32, #tpu.memory_space<hbm>> -> memref<800xf32, #tpu.memory_space<hbm>>
        tpu.wait_dma2 semaphore(%run_scoped3A : memref<!tpu.dma_semaphore, #tpu.memory_space<semaphore_mem>>) src(%arg28 : memref<800xf32, #tpu.memory_space<vmem>>) dst(%dma_wait3A_62 : memref<800xf32, #tpu.memory_space<hbm>>)
        tpu.yield
      }) : () -> ()
    } else {
    }
    return
  }
}

module attributes {stable_mosaic.version = 14 : i64} {
  func.func @_update_body(%arg0: i32, %arg1: memref<2000x128xf32, #tpu.memory_space<vmem>>, %arg2: memref<128x128xf32, #tpu.memory_space<vmem>>, %arg3: memref<1x128xf32, #tpu.memory_space<vmem>>, %arg4: memref<1x128xf32, #tpu.memory_space<vmem>>, %arg5: memref<1x128xf32, #tpu.memory_space<vmem>>, %arg6: memref<1x128xf32, #tpu.memory_space<vmem>>, %arg7: memref<2000x128xf32, #tpu.memory_space<vmem>>, %arg8: memref<2000x1xf32, #tpu.memory_space<vmem>>, %arg9: memref<2000x128xf32, #tpu.memory_space<vmem>>) attributes {dimension_semantics = [#tpu.dimension_semantics<arbitrary>], iteration_bounds = array<i64: 25>, scalar_prefetch = 0 : i64, scratch_operands = 0 : i64, tpu.core_type = #tpu.core_type<tc>, window_params = [{transform_indices = @transform_0, window_bounds = array<i64: 2000, 128>}, {pipeline_mode = #tpu.pipeline_mode<synchronous>, transform_indices = @transform_1, window_bounds = array<i64: 128, 128>}, {pipeline_mode = #tpu.pipeline_mode<synchronous>, transform_indices = @transform_2, window_bounds = array<i64: 1, 128>}, {pipeline_mode = #tpu.pipeline_mode<synchronous>, transform_indices = @transform_3, window_bounds = array<i64: 1, 128>}, {pipeline_mode = #tpu.pipeline_mode<synchronous>, transform_indices = @transform_4, window_bounds = array<i64: 1, 128>}, {pipeline_mode = #tpu.pipeline_mode<synchronous>, transform_indices = @transform_5, window_bounds = array<i64: 1, 128>}, {transform_indices = @transform_6, window_bounds = array<i64: 2000, 128>}, {transform_indices = @transform_7, window_bounds = array<i64: 2000, 1>}, {transform_indices = @transform_8, window_bounds = array<i64: 2000, 128>}]} {
    %get3A = arith.constant 0 : index
    %get3A_0 = arith.constant 0 : index
    %get3A_1 = vector.load %arg1[%get3A, %get3A_0] : memref<2000x128xf32, #tpu.memory_space<vmem>>, vector<2000x128xf32>
    %get3A_2 = arith.constant 0 : index
    %get3A_3 = arith.constant 0 : index
    %get3A_4 = vector.load %arg7[%get3A_2, %get3A_3] : memref<2000x128xf32, #tpu.memory_space<vmem>>, vector<2000x128xf32>
    %get3A_5 = arith.constant 0 : index
    %get3A_6 = arith.constant 0 : index
    %get3A_7 = vector.load %arg8[%get3A_5, %get3A_6] : memref<2000x1xf32, #tpu.memory_space<vmem>>, vector<2000x1xf32>
    %get3A_8 = arith.constant 0 : index
    %get3A_9 = arith.constant 0 : index
    %get3A_10 = vector.load %arg4[%get3A_8, %get3A_9] : memref<1x128xf32, #tpu.memory_space<vmem>>, vector<1x128xf32>
    %max3A = arith.constant 1.000000e+00 : f32
    %max3A_11 = vector.broadcast %max3A : f32 to vector<2000x1xf32>
    %max3A_12 = arith.maximumf %get3A_7, %max3A_11 : vector<2000x1xf32>
    %div3A = vector.broadcast %max3A_12 : vector<2000x1xf32> to vector<2000x128xf32>
    %div3A_13 = arith.divf %get3A_4, %div3A : vector<2000x128xf32>
    %mul3A = vector.broadcast %get3A_10 : vector<1x128xf32> to vector<2000x128xf32>
    %mul3A_14 = arith.mulf %div3A_13, %mul3A : vector<2000x128xf32>
    %get3A_15 = arith.constant 0 : index
    %get3A_16 = arith.constant 0 : index
    %get3A_17 = vector.load %arg2[%get3A_15, %get3A_16] : memref<128x128xf32, #tpu.memory_space<vmem>>, vector<128x128xf32>
    %dot_general3A = arith.constant dense<0.000000e+00> : vector<2000x128xf32>
    %dot_general3A_18 = tpu.matmul %get3A_1, %get3A_17, %dot_general3A {dimension_numbers = #tpu.dot_dimension_numbers<[1], [0], [0], [1], [0, 0, 1, 1], [], []>, transpose_lhs_hint = false} : vector<2000x128xf32>, vector<128x128xf32>, vector<2000x128xf32> -> vector<2000x128xf32>
    %get3A_19 = arith.constant 0 : index
    %get3A_20 = arith.constant 0 : index
    %get3A_21 = vector.load %arg3[%get3A_19, %get3A_20] : memref<1x128xf32, #tpu.memory_space<vmem>>, vector<1x128xf32>
    %add3A = vector.broadcast %get3A_21 : vector<1x128xf32> to vector<2000x128xf32>
    %add3A_22 = arith.addf %dot_general3A_18, %add3A : vector<2000x128xf32>
    %add3A_23 = arith.addf %add3A_22, %mul3A_14 : vector<2000x128xf32>
    %reduce_sum3A = arith.constant dense<0.000000e+00> : vector<2000xf32>
    %reduce_sum3A_24 = vector.multi_reduction <add>, %add3A_23, %reduce_sum3A [1] : vector<2000x128xf32> to vector<2000xf32>
    %broadcast_in_dim3A = vector.shape_cast %reduce_sum3A_24 : vector<2000xf32> to vector<2000x1xf32>
    %div3A_25 = arith.constant 1.280000e+02 : f32
    %div3A_26 = vector.broadcast %div3A_25 : f32 to vector<2000x1xf32>
    %div3A_27 = arith.divf %broadcast_in_dim3A, %div3A_26 : vector<2000x1xf32>
    %sub3A = vector.broadcast %div3A_27 : vector<2000x1xf32> to vector<2000x128xf32>
    %sub3A_28 = arith.subf %add3A_23, %sub3A : vector<2000x128xf32>
    %integer_pow3A = arith.mulf %sub3A_28, %sub3A_28 : vector<2000x128xf32>
    %reduce_sum3A_29 = arith.constant dense<0.000000e+00> : vector<2000xf32>
    %reduce_sum3A_30 = vector.multi_reduction <add>, %integer_pow3A, %reduce_sum3A_29 [1] : vector<2000x128xf32> to vector<2000xf32>
    %broadcast_in_dim3A_31 = vector.shape_cast %reduce_sum3A_30 : vector<2000xf32> to vector<2000x1xf32>
    %div3A_32 = arith.constant 1.280000e+02 : f32
    %div3A_33 = vector.broadcast %div3A_32 : f32 to vector<2000x1xf32>
    %div3A_34 = arith.divf %broadcast_in_dim3A_31, %div3A_33 : vector<2000x1xf32>
    %sub3A_35 = vector.broadcast %div3A_27 : vector<2000x1xf32> to vector<2000x128xf32>
    %sub3A_36 = arith.subf %add3A_23, %sub3A_35 : vector<2000x128xf32>
    %add3A_37 = arith.constant 9.99999974E-6 : f32
    %add3A_38 = vector.broadcast %add3A_37 : f32 to vector<2000x1xf32>
    %add3A_39 = arith.addf %div3A_34, %add3A_38 : vector<2000x1xf32>
    %rsqrt3A = math.rsqrt %add3A_39 : vector<2000x1xf32>
    %mul3A_40 = vector.broadcast %rsqrt3A : vector<2000x1xf32> to vector<2000x128xf32>
    %mul3A_41 = arith.mulf %sub3A_36, %mul3A_40 : vector<2000x128xf32>
    %get3A_42 = arith.constant 0 : index
    %get3A_43 = arith.constant 0 : index
    %get3A_44 = vector.load %arg5[%get3A_42, %get3A_43] : memref<1x128xf32, #tpu.memory_space<vmem>>, vector<1x128xf32>
    %mul3A_45 = vector.broadcast %get3A_44 : vector<1x128xf32> to vector<2000x128xf32>
    %mul3A_46 = arith.mulf %mul3A_41, %mul3A_45 : vector<2000x128xf32>
    %get3A_47 = arith.constant 0 : index
    %get3A_48 = arith.constant 0 : index
    %get3A_49 = vector.load %arg6[%get3A_47, %get3A_48] : memref<1x128xf32, #tpu.memory_space<vmem>>, vector<1x128xf32>
    %add3A_50 = vector.broadcast %get3A_49 : vector<1x128xf32> to vector<2000x128xf32>
    %add3A_51 = arith.addf %mul3A_46, %add3A_50 : vector<2000x128xf32>
    %add3A_52 = arith.addf %add3A_51, %get3A_1 : vector<2000x128xf32>
    %gt3A = arith.constant 0.000000e+00 : f32
    %gt3A_53 = vector.broadcast %gt3A : f32 to vector<2000x128xf32>
    %gt3A_54 = arith.cmpf ogt, %add3A_52, %gt3A_53 : vector<2000x128xf32>
    %min3A = arith.constant 0.000000e+00 : f32
    %min3A_55 = vector.broadcast %min3A : f32 to vector<2000x128xf32>
    %min3A_56 = arith.minimumf %add3A_52, %min3A_55 : vector<2000x128xf32>
    %exp3A = math.exp %min3A_56 : vector<2000x128xf32>
    %sub3A_57 = arith.constant 1.000000e+00 : f32
    %sub3A_58 = vector.broadcast %sub3A_57 : f32 to vector<2000x128xf32>
    %sub3A_59 = arith.subf %exp3A, %sub3A_58 : vector<2000x128xf32>
    %mul3A_60 = arith.constant 1.67326319 : f32
    %mul3A_61 = vector.broadcast %mul3A_60 : f32 to vector<2000x128xf32>
    %mul3A_62 = arith.mulf %mul3A_61, %sub3A_59 : vector<2000x128xf32>
    %select_n3A = arith.select %gt3A_54, %add3A_52, %mul3A_62 : vector<2000x128xi1>, vector<2000x128xf32>
    %mul3A_63 = arith.constant 1.05070102 : f32
    %mul3A_64 = vector.broadcast %mul3A_63 : f32 to vector<2000x128xf32>
    %mul3A_65 = arith.mulf %mul3A_64, %select_n3A : vector<2000x128xf32>
    %gt3A_66 = arith.constant 5.000000e-01 : f32
    %gt3A_67 = vector.broadcast %gt3A_66 : f32 to vector<1x128xf32>
    %gt3A_68 = arith.cmpf ogt, %get3A_10, %gt3A_67 : vector<1x128xf32>
    %broadcast_in_dim3A_69 = vector.shape_cast %gt3A_68 : vector<1x128xi1> to vector<1x128xi1>
    %broadcast_in_dim3A_70 = vector.broadcast %broadcast_in_dim3A_69 : vector<1x128xi1> to vector<2000x128xi1>
    %select_n3A_71 = arith.select %broadcast_in_dim3A_70, %mul3A_65, %get3A_1 : vector<2000x128xi1>, vector<2000x128xf32>
    %swap3A = arith.constant 0 : index
    %swap3A_72 = arith.constant 0 : index
    %swap3A_73 = vector.load %arg9[%swap3A, %swap3A_72] : memref<2000x128xf32, #tpu.memory_space<vmem>>, vector<2000x128xf32>
    tpu.vector_store %arg9[%swap3A, %swap3A_72], %select_n3A_71 {strides = array<i32>} : memref<2000x128xf32, #tpu.memory_space<vmem>>, vector<2000x128xf32>,
    return
  }
  func.func @transform_0(%arg0: i32) -> (i32, i32) {
    %c0_i32 = arith.constant 0 : i32
    %c0_i32_0 = arith.constant 0 : i32
    return %arg0, %c0_i32 : i32, i32
  }
  func.func @transform_1(%arg0: i32) -> (i32, i32) {
    %c0_i32 = arith.constant 0 : i32
    %c0_i32_0 = arith.constant 0 : i32
    %c0_i32_1 = arith.constant 0 : i32
    return %c0_i32, %c0_i32_0 : i32, i32
  }
  func.func @transform_2(%arg0: i32) -> (i32, i32) {
    %c0_i32 = arith.constant 0 : i32
    %c0_i32_0 = arith.constant 0 : i32
    %c0_i32_1 = arith.constant 0 : i32
    return %c0_i32, %c0_i32_0 : i32, i32
  }
  func.func @transform_3(%arg0: i32) -> (i32, i32) {
    %c0_i32 = arith.constant 0 : i32
    %c0_i32_0 = arith.constant 0 : i32
    %c0_i32_1 = arith.constant 0 : i32
    return %c0_i32, %c0_i32_0 : i32, i32
  }
  func.func @transform_4(%arg0: i32) -> (i32, i32) {
    %c0_i32 = arith.constant 0 : i32
    %c0_i32_0 = arith.constant 0 : i32
    %c0_i32_1 = arith.constant 0 : i32
    return %c0_i32, %c0_i32_0 : i32, i32
  }
  func.func @transform_5(%arg0: i32) -> (i32, i32) {
    %c0_i32 = arith.constant 0 : i32
    %c0_i32_0 = arith.constant 0 : i32
    %c0_i32_1 = arith.constant 0 : i32
    return %c0_i32, %c0_i32_0 : i32, i32
  }
  func.func @transform_6(%arg0: i32) -> (i32, i32) {
    %c0_i32 = arith.constant 0 : i32
    %c0_i32_0 = arith.constant 0 : i32
    return %arg0, %c0_i32 : i32, i32
  }
  func.func @transform_7(%arg0: i32) -> (i32, i32) {
    %c0_i32 = arith.constant 0 : i32
    %c0_i32_0 = arith.constant 0 : i32
    return %arg0, %c0_i32 : i32, i32
  }
  func.func @transform_8(%arg0: i32) -> (i32, i32) {
    %c0_i32 = arith.constant 0 : i32
    %c0_i32_0 = arith.constant 0 : i32
    return %arg0, %c0_i32 : i32, i32
  }
}

module attributes {stable_mosaic.version = 14 : i64} {
  func.func @_update_body(%arg0: i32, %arg1: memref<2000x128xf32, #tpu.memory_space<vmem>>, %arg2: memref<128x128xf32, #tpu.memory_space<vmem>>, %arg3: memref<1x128xf32, #tpu.memory_space<vmem>>, %arg4: memref<1x128xf32, #tpu.memory_space<vmem>>, %arg5: memref<1x128xf32, #tpu.memory_space<vmem>>, %arg6: memref<1x128xf32, #tpu.memory_space<vmem>>, %arg7: memref<2000x128xf32, #tpu.memory_space<vmem>>, %arg8: memref<2000x128xf32, #tpu.memory_space<vmem>>, %arg9: memref<2000x1xf32, #tpu.memory_space<vmem>>, %arg10: memref<2000x1xf32, #tpu.memory_space<vmem>>, %arg11: memref<2000x128xf32, #tpu.memory_space<vmem>>) attributes {dimension_semantics = [#tpu.dimension_semantics<arbitrary>], iteration_bounds = array<i64: 5>, scalar_prefetch = 0 : i64, scratch_operands = 0 : i64, tpu.core_type = #tpu.core_type<tc>, window_params = [{transform_indices = @transform_0, window_bounds = array<i64: 2000, 128>}, {pipeline_mode = #tpu.pipeline_mode<synchronous>, transform_indices = @transform_1, window_bounds = array<i64: 128, 128>}, {pipeline_mode = #tpu.pipeline_mode<synchronous>, transform_indices = @transform_2, window_bounds = array<i64: 1, 128>}, {pipeline_mode = #tpu.pipeline_mode<synchronous>, transform_indices = @transform_3, window_bounds = array<i64: 1, 128>}, {pipeline_mode = #tpu.pipeline_mode<synchronous>, transform_indices = @transform_4, window_bounds = array<i64: 1, 128>}, {pipeline_mode = #tpu.pipeline_mode<synchronous>, transform_indices = @transform_5, window_bounds = array<i64: 1, 128>}, {transform_indices = @transform_6, window_bounds = array<i64: 2000, 128>}, {transform_indices = @transform_7, window_bounds = array<i64: 2000, 128>}, {transform_indices = @transform_8, window_bounds = array<i64: 2000, 1>}, {transform_indices = @transform_9, window_bounds = array<i64: 2000, 1>}, {transform_indices = @transform_10, window_bounds = array<i64: 2000, 128>}]} {
    %get3A = arith.constant 0 : index
    %get3A_0 = arith.constant 0 : index
    %get3A_1 = vector.load %arg1[%get3A, %get3A_0] : memref<2000x128xf32, #tpu.memory_space<vmem>>, vector<2000x128xf32>
    %get3A_2 = arith.constant 0 : index
    %get3A_3 = arith.constant 0 : index
    %get3A_4 = vector.load %arg7[%get3A_2, %get3A_3] : memref<2000x128xf32, #tpu.memory_space<vmem>>, vector<2000x128xf32>
    %get3A_5 = arith.constant 0 : index
    %get3A_6 = arith.constant 0 : index
    %get3A_7 = vector.load %arg8[%get3A_5, %get3A_6] : memref<2000x128xf32, #tpu.memory_space<vmem>>, vector<2000x128xf32>
    %add3A = arith.addf %get3A_4, %get3A_7 : vector<2000x128xf32>
    %get3A_8 = arith.constant 0 : index
    %get3A_9 = arith.constant 0 : index
    %get3A_10 = vector.load %arg9[%get3A_8, %get3A_9] : memref<2000x1xf32, #tpu.memory_space<vmem>>, vector<2000x1xf32>
    %get3A_11 = arith.constant 0 : index
    %get3A_12 = arith.constant 0 : index
    %get3A_13 = vector.load %arg10[%get3A_11, %get3A_12] : memref<2000x1xf32, #tpu.memory_space<vmem>>, vector<2000x1xf32>
    %add3A_14 = arith.addf %get3A_10, %get3A_13 : vector<2000x1xf32>
    %get3A_15 = arith.constant 0 : index
    %get3A_16 = arith.constant 0 : index
    %get3A_17 = vector.load %arg4[%get3A_15, %get3A_16] : memref<1x128xf32, #tpu.memory_space<vmem>>, vector<1x128xf32>
    %max3A = arith.constant 1.000000e+00 : f32
    %max3A_18 = vector.broadcast %max3A : f32 to vector<2000x1xf32>
    %max3A_19 = arith.maximumf %add3A_14, %max3A_18 : vector<2000x1xf32>
    %div3A = vector.broadcast %max3A_19 : vector<2000x1xf32> to vector<2000x128xf32>
    %div3A_20 = arith.divf %add3A, %div3A : vector<2000x128xf32>
    %mul3A = vector.broadcast %get3A_17 : vector<1x128xf32> to vector<2000x128xf32>
    %mul3A_21 = arith.mulf %div3A_20, %mul3A : vector<2000x128xf32>
    %get3A_22 = arith.constant 0 : index
    %get3A_23 = arith.constant 0 : index
    %get3A_24 = vector.load %arg2[%get3A_22, %get3A_23] : memref<128x128xf32, #tpu.memory_space<vmem>>, vector<128x128xf32>
    %dot_general3A = arith.constant dense<0.000000e+00> : vector<2000x128xf32>
    %dot_general3A_25 = tpu.matmul %get3A_1, %get3A_24, %dot_general3A {dimension_numbers = #tpu.dot_dimension_numbers<[1], [0], [0], [1], [0, 0, 1, 1], [], []>, transpose_lhs_hint = false} : vector<2000x128xf32>, vector<128x128xf32>, vector<2000x128xf32> -> vector<2000x128xf32>
    %get3A_26 = arith.constant 0 : index
    %get3A_27 = arith.constant 0 : index
    %get3A_28 = vector.load %arg3[%get3A_26, %get3A_27] : memref<1x128xf32, #tpu.memory_space<vmem>>, vector<1x128xf32>
    %add3A_29 = vector.broadcast %get3A_28 : vector<1x128xf32> to vector<2000x128xf32>
    %add3A_30 = arith.addf %dot_general3A_25, %add3A_29 : vector<2000x128xf32>
    %add3A_31 = arith.addf %add3A_30, %mul3A_21 : vector<2000x128xf32>
    %reduce_sum3A = arith.constant dense<0.000000e+00> : vector<2000xf32>
    %reduce_sum3A_32 = vector.multi_reduction <add>, %add3A_31, %reduce_sum3A [1] : vector<2000x128xf32> to vector<2000xf32>
    %broadcast_in_dim3A = vector.shape_cast %reduce_sum3A_32 : vector<2000xf32> to vector<2000x1xf32>
    %div3A_33 = arith.constant 1.280000e+02 : f32
    %div3A_34 = vector.broadcast %div3A_33 : f32 to vector<2000x1xf32>
    %div3A_35 = arith.divf %broadcast_in_dim3A, %div3A_34 : vector<2000x1xf32>
    %sub3A = vector.broadcast %div3A_35 : vector<2000x1xf32> to vector<2000x128xf32>
    %sub3A_36 = arith.subf %add3A_31, %sub3A : vector<2000x128xf32>
    %integer_pow3A = arith.mulf %sub3A_36, %sub3A_36 : vector<2000x128xf32>
    %reduce_sum3A_37 = arith.constant dense<0.000000e+00> : vector<2000xf32>
    %reduce_sum3A_38 = vector.multi_reduction <add>, %integer_pow3A, %reduce_sum3A_37 [1] : vector<2000x128xf32> to vector<2000xf32>
    %broadcast_in_dim3A_39 = vector.shape_cast %reduce_sum3A_38 : vector<2000xf32> to vector<2000x1xf32>
    %div3A_40 = arith.constant 1.280000e+02 : f32
    %div3A_41 = vector.broadcast %div3A_40 : f32 to vector<2000x1xf32>
    %div3A_42 = arith.divf %broadcast_in_dim3A_39, %div3A_41 : vector<2000x1xf32>
    %sub3A_43 = vector.broadcast %div3A_35 : vector<2000x1xf32> to vector<2000x128xf32>
    %sub3A_44 = arith.subf %add3A_31, %sub3A_43 : vector<2000x128xf32>
    %add3A_45 = arith.constant 9.99999974E-6 : f32
    %add3A_46 = vector.broadcast %add3A_45 : f32 to vector<2000x1xf32>
    %add3A_47 = arith.addf %div3A_42, %add3A_46 : vector<2000x1xf32>
    %rsqrt3A = math.rsqrt %add3A_47 : vector<2000x1xf32>
    %mul3A_48 = vector.broadcast %rsqrt3A : vector<2000x1xf32> to vector<2000x128xf32>
    %mul3A_49 = arith.mulf %sub3A_44, %mul3A_48 : vector<2000x128xf32>
    %get3A_50 = arith.constant 0 : index
    %get3A_51 = arith.constant 0 : index
    %get3A_52 = vector.load %arg5[%get3A_50, %get3A_51] : memref<1x128xf32, #tpu.memory_space<vmem>>, vector<1x128xf32>
    %mul3A_53 = vector.broadcast %get3A_52 : vector<1x128xf32> to vector<2000x128xf32>
    %mul3A_54 = arith.mulf %mul3A_49, %mul3A_53 : vector<2000x128xf32>
    %get3A_55 = arith.constant 0 : index
    %get3A_56 = arith.constant 0 : index
    %get3A_57 = vector.load %arg6[%get3A_55, %get3A_56] : memref<1x128xf32, #tpu.memory_space<vmem>>, vector<1x128xf32>
    %add3A_58 = vector.broadcast %get3A_57 : vector<1x128xf32> to vector<2000x128xf32>
    %add3A_59 = arith.addf %mul3A_54, %add3A_58 : vector<2000x128xf32>
    %add3A_60 = arith.addf %add3A_59, %get3A_1 : vector<2000x128xf32>
    %gt3A = arith.constant 0.000000e+00 : f32
    %gt3A_61 = vector.broadcast %gt3A : f32 to vector<2000x128xf32>
    %gt3A_62 = arith.cmpf ogt, %add3A_60, %gt3A_61 : vector<2000x128xf32>
    %min3A = arith.constant 0.000000e+00 : f32
    %min3A_63 = vector.broadcast %min3A : f32 to vector<2000x128xf32>
    %min3A_64 = arith.minimumf %add3A_60, %min3A_63 : vector<2000x128xf32>
    %exp3A = math.exp %min3A_64 : vector<2000x128xf32>
    %sub3A_65 = arith.constant 1.000000e+00 : f32
    %sub3A_66 = vector.broadcast %sub3A_65 : f32 to vector<2000x128xf32>
    %sub3A_67 = arith.subf %exp3A, %sub3A_66 : vector<2000x128xf32>
    %mul3A_68 = arith.constant 1.67326319 : f32
    %mul3A_69 = vector.broadcast %mul3A_68 : f32 to vector<2000x128xf32>
    %mul3A_70 = arith.mulf %mul3A_69, %sub3A_67 : vector<2000x128xf32>
    %select_n3A = arith.select %gt3A_62, %add3A_60, %mul3A_70 : vector<2000x128xi1>, vector<2000x128xf32>
    %mul3A_71 = arith.constant 1.05070102 : f32
    %mul3A_72 = vector.broadcast %mul3A_71 : f32 to vector<2000x128xf32>
    %mul3A_73 = arith.mulf %mul3A_72, %select_n3A : vector<2000x128xf32>
    %gt3A_74 = arith.constant 5.000000e-01 : f32
    %gt3A_75 = vector.broadcast %gt3A_74 : f32 to vector<1x128xf32>
    %gt3A_76 = arith.cmpf ogt, %get3A_17, %gt3A_75 : vector<1x128xf32>
    %broadcast_in_dim3A_77 = vector.shape_cast %gt3A_76 : vector<1x128xi1> to vector<1x128xi1>
    %broadcast_in_dim3A_78 = vector.broadcast %broadcast_in_dim3A_77 : vector<1x128xi1> to vector<2000x128xi1>
    %select_n3A_79 = arith.select %broadcast_in_dim3A_78, %mul3A_73, %get3A_1 : vector<2000x128xi1>, vector<2000x128xf32>
    %swap3A = arith.constant 0 : index
    %swap3A_80 = arith.constant 0 : index
    %swap3A_81 = vector.load %arg11[%swap3A, %swap3A_80] : memref<2000x128xf32, #tpu.memory_space<vmem>>, vector<2000x128xf32>
    tpu.vector_store %arg11[%swap3A, %swap3A_80], %select_n3A_79 {strides = array<i32>} : memref<2000x128xf32, #tpu.memory_space<vmem>>, vector<2000x128xf32>,
    return
  }
  func.func @transform_0(%arg0: i32) -> (i32, i32) {
    %c0_i32 = arith.constant 0 : i32
    %c0_i32_0 = arith.constant 0 : i32
    return %arg0, %c0_i32 : i32, i32
  }
  func.func @transform_1(%arg0: i32) -> (i32, i32) {
    %c0_i32 = arith.constant 0 : i32
    %c0_i32_0 = arith.constant 0 : i32
    %c0_i32_1 = arith.constant 0 : i32
    return %c0_i32, %c0_i32_0 : i32, i32
  }
  func.func @transform_2(%arg0: i32) -> (i32, i32) {
    %c0_i32 = arith.constant 0 : i32
    %c0_i32_0 = arith.constant 0 : i32
    %c0_i32_1 = arith.constant 0 : i32
    return %c0_i32, %c0_i32_0 : i32, i32
  }
  func.func @transform_3(%arg0: i32) -> (i32, i32) {
    %c0_i32 = arith.constant 0 : i32
    %c0_i32_0 = arith.constant 0 : i32
    %c0_i32_1 = arith.constant 0 : i32
    return %c0_i32, %c0_i32_0 : i32, i32
  }
  func.func @transform_4(%arg0: i32) -> (i32, i32) {
    %c0_i32 = arith.constant 0 : i32
    %c0_i32_0 = arith.constant 0 : i32
    %c0_i32_1 = arith.constant 0 : i32
    return %c0_i32, %c0_i32_0 : i32, i32
  }
  func.func @transform_5(%arg0: i32) -> (i32, i32) {
    %c0_i32 = arith.constant 0 : i32
    %c0_i32_0 = arith.constant 0 : i32
    %c0_i32_1 = arith.constant 0 : i32
    return %c0_i32, %c0_i32_0 : i32, i32
  }
  func.func @transform_6(%arg0: i32) -> (i32, i32) {
    %c0_i32 = arith.constant 0 : i32
    %c0_i32_0 = arith.constant 0 : i32
    return %arg0, %c0_i32 : i32, i32
  }
  func.func @transform_7(%arg0: i32) -> (i32, i32) {
    %c0_i32 = arith.constant 0 : i32
    %c0_i32_0 = arith.constant 0 : i32
    return %arg0, %c0_i32 : i32, i32
  }
  func.func @transform_8(%arg0: i32) -> (i32, i32) {
    %c0_i32 = arith.constant 0 : i32
    %c0_i32_0 = arith.constant 0 : i32
    return %arg0, %c0_i32 : i32, i32
  }
  func.func @transform_9(%arg0: i32) -> (i32, i32) {
    %c0_i32 = arith.constant 0 : i32
    %c0_i32_0 = arith.constant 0 : i32
    return %arg0, %c0_i32 : i32, i32
  }
  func.func @transform_10(%arg0: i32) -> (i32, i32) {
    %c0_i32 = arith.constant 0 : i32
    %c0_i32_0 = arith.constant 0 : i32
    return %arg0, %c0_i32 : i32, i32
  }
}

</mosaic_0001>

<sc_bundles>
// kernel: kernel.5.cloned.1.call-start
scs
__scs_entry_jumppad:
0x0: {  	(pc) =	sbr.rel $0x88, $3  }
0x1: {  	(tag) =	ssettag $0x0;
	lr =	simm.s32 $0x1  }
0x2: {  	[smem:$0x3F8B] =	sst lr;
	_ =	strace $0xD0000000  }
0x3: {  	_ = 	snop  }
0x4: {  	_ = 	snop  }
0x5: {  	_ = 	snop  }
0x6: {  	_ = 	snop  }
0x7: {  	_ = 	snop  }
__scs_overlays_trampoline_lowered:
0x8: {  	[smem:$0x3F9A] =	sst s0  }
0x9: {  	[smem:$0x3F9B] =	sst s1  }
0xa: {  	[smem:$0x3F9C] =	sst s2  }
0xb: {  	[smem:$0x3F9D] =	sst s3  }
0xc: {  	[smem:$0x3F9E] =	sst s4  }
0xd: {  	[smem:$0x3F9F] =	sst s5  }
0xe: {  	[smem:$0x3FA0] =	sst s6  }
0xf: {  	[smem:$0x3FA1] =	sst s7  }
0x10: {  	[smem:$0x3FA2] =	sst s8  }
0x11: {  	[smem:$0x3FA3] =	sst s9;
	s0 =	simm.s32 @!p0 $0x0  }
0x12: {  	s1 =	sld [smem:$0x3F89];
	s0 =	simm.s32 @p0 $0x1  }
0x13: {  	[smem:$0x3FA4] =	sst s0;
	s0 =	simm.s32 @!p1 $0x0  }
0x14: {  	s2 =	sld [smem:$0x3F88];
	s0 =	simm.s32 @p1 $0x1  }
0x15: {  	[smem:$0x3FA5] =	sst s0;
	s0 =	simm.s32 @!p2 $0x0  }
0x16: {  	s3 =	sld [smem:$0x3FDB];
	s0 =	simm.s32 @p2 $0x1  }
0x17: {  	s4 =	simm.s32 $0x1BF5;
	[smem:$0x3FA7] =	sst s0  }
0x18: {  	s0 =	sld [smem:$0x3F8A];
	_ =	swait.ge [sflag:s4], $0x0  }
0x19: {  	s7 =	sld [smem:$0x3F8B]  }
0x1a: {  	s8 =	sadd.s32 $0xFFFFE003, lr  }
0x1b: {  	s9 =	sadd.s32 $0xFFFFFEF7, lr;
	s5 =	simm.s32 $0xFFFFFFFF;
	p2 =	slt.u32 s8, $0xFFFFF086  }
0x1c: {  	p1 =	slt.u32 s9, $0xF7A;
	s5 =	simm.s32 @!p2 $0x0  }
0x1d: {  	s5 =	simm.s32 @p1 $0x1;
	p0 =	seq.s32 s7, s2  }
0x1e: {  	s7 =	smul.u32 @!p0 $0xF7A, s2;
	p2 =	seq.s32 @!p0 s5, $0x0  }
0x1f: {  	s9 =	smul.u32 $0xF7A, s1;
	s8 =	simm.s32 @!p0 $0x1BF5;
	p2 =	por !p2, p0  }
0x20: {  	[sflag:s8] =	ssyncset.s32 @!p0 $0xFFFFF086;
	s6 =	sadd.s32 @!p0 s3, s7;
	s7 =	simm.s32 @!p0 $0x108  }
0x21: {  	s3 =	sadd.s32 s3, s9;
	s6 =	sadd.s32 @!p0 $0x88, s6;
	s7 =	simm.s32 @p2 $0x1082  }
0x22: {  	[simem:s7], [sflag:s8] =	dma.local @!p0 [hbm:s6], $0xF7A  }
0x23: {  	s9 =	sor.u32 $0xD0000000, s2;
	s6 =	simm.s32 $0x108;
	_ =	swait.ge @!p0 [sflag:s8], $0x0  }
0x24: {  	s3 =	sadd.s32 $0x88, s3;
	s6 =	simm.s32 @!p1 $0x1082;
	[sflag:s4] =	ssyncset.s32 $0xFFFFF086  }
0x25: {  	[simem:s6], [sflag:s4] =	dma.local [hbm:s3], $0xF7A  }
0x26: {  	[smem:$0x3F8B] =	sst s1;
	(tag) =	ssettag s2;
	_ =	strace s9  }
0x27: {  	s1 =	sld [smem:$0x3F9B]  }
0x28: {  	s2 =	sld [smem:$0x3F9C]  }
0x29: {  	s4 =	sld [smem:$0x3F9E]  }
0x2a: {  	p0 =	seq.s32 s5, $0x0;
	s5 =	sld [smem:$0x3F9F]  }
0x2b: {  	s6 =	sld [smem:$0x3FA0]  }
0x2c: {  	s7 =	sld [smem:$0x3FA1]  }
0x2d: {  	s3 =	simm.s32 $0x108;
	s8 =	sld [smem:$0x3FA2]  }
0x2e: {  	s3 =	simm.s32 @!p0 $0x1082;
	s9 =	sld [smem:$0x3FA3]  }
0x2f: {  	lr =	sadd.s32 s0, s3;
	s0 =	sld [smem:$0x3F9A]  }
0x30: {  	s3 =	sld [smem:$0x3F9D]  }
0x31: {  	[smem:$0x3FA6] =	sst s10  }
0x32: {  	s10 =	sld [smem:$0x3FA4];
	_ =	sdelay $0x3  }
0x33: {  	p0 =	seq.s32 s10, $0x1;
	s10 =	sld [smem:$0x3FA6];
	_ =	sdelay $0x3  }
0x34: {  	[smem:$0x3FA6] =	sst s10  }
0x35: {  	s10 =	sld [smem:$0x3FA5];
	_ =	sdelay $0x3  }
0x36: {  	p1 =	seq.s32 s10, $0x1;
	s10 =	sld [smem:$0x3FA6];
	_ =	sdelay $0x3  }
0x37: {  	[smem:$0x3FA6] =	sst s10  }
0x38: {  	s10 =	sld [smem:$0x3FA7]  }
0x39: {  	_ = 	snop;
	(pc) =	sbr.ind lr, $3  }
0x3a: {  	_ = 	snop  }
0x3b: {  	_ = 	snop  }
0x3c: {  	p2 =	seq.s32 s10, $0x1;
	s10 =	sld [smem:$0x3FA6]  }
0x3d: {  	_ =	shalt  }
0x3e: {  	_ =	shalt  }
0x3f: {  	_ =	shalt  }
0x40: {  	_ =	shalt  }
0x41: {  	_ =	shalt  }
0x42: {  	_ =	shalt  }
0x43: {  	_ =	shalt  }
0x44: {  	_ =	shalt  }
0x45: {  	_ =	shalt  }
0x46: {  	_ =	shalt  }
0x47: {  	_ =	shalt  }
0x48: {  	_ =	shalt  }
0x49: {  	_ =	shalt  }
0x4a: {  	_ =	shalt  }
0x4b: {  	_ =	shalt  }
0x4c: {  	_ =	shalt  }
0x4d: {  	_ =	shalt  }
0x4e: {  	_ =	shalt  }
0x4f: {  	_ =	shalt  }
0x50: {  	_ =	shalt  }
0x51: {  	_ =	shalt  }
0x52: {  	_ =	shalt  }
0x53: {  	_ =	shalt  }
0x54: {  	_ =	shalt  }
0x55: {  	_ =	shalt  }
0x56: {  	_ =	shalt  }
0x57: {  	_ =	shalt  }
0x58: {  	_ =	shalt  }
0x59: {  	_ =	shalt  }
0x5a: {  	_ =	shalt  }
0x5b: {  	_ =	shalt  }
0x5c: {  	_ =	shalt  }
0x5d: {  	_ =	shalt  }
0x5e: {  	_ =	shalt  }
0x5f: {  	_ =	shalt  }
0x60: {  	_ =	shalt  }
0x61: {  	_ =	shalt  }
0x62: {  	_ =	shalt  }
0x63: {  	_ =	shalt  }
0x64: {  	_ =	shalt  }
0x65: {  	_ =	shalt  }
0x66: {  	_ =	shalt  }
0x67: {  	_ =	shalt  }
0x68: {  	_ =	shalt  }
0x69: {  	_ =	shalt  }
0x6a: {  	_ =	shalt  }
0x6b: {  	_ =	shalt  }
0x6c: {  	_ =	shalt  }
0x6d: {  	_ =	shalt  }
0x6e: {  	_ =	shalt  }
0x6f: {  	_ =	shalt  }
0x70: {  	_ =	shalt  }
0x71: {  	_ =	shalt  }
0x72: {  	_ =	shalt  }
0x73: {  	_ =	shalt  }
0x74: {  	_ =	shalt  }
0x75: {  	_ =	shalt  }
0x76: {  	_ =	shalt  }
0x77: {  	_ =	shalt  }
0x78: {  	_ =	shalt  }
0x79: {  	_ =	shalt  }
0x7a: {  	_ =	shalt  }
0x7b: {  	_ =	shalt  }
0x7c: {  	_ =	shalt  }
0x7d: {  	_ =	shalt  }
0x7e: {  	_ =	shalt  }
0x7f: {  	_ =	shalt  }
0x80: {  	_ =	shalt  }
0x81: {  	_ =	shalt  }
0x82: {  	_ =	shalt  }
0x83: {  	_ =	shalt  }
0x84: {  	_ =	shalt  }
0x85: {  	_ =	shalt  }
0x86: {  	_ =	shalt  }
0x87: {  	_ =	shalt  }
.Lfunc_end0:
.L_simem_size_0:
called_computation_lowered:
.L_overlay_start_0:
0x88: {  	s2 =	sld [smem:$0x3FD9]  }
0x89: {  	s3 =	sld [smem:$0x3FFE];
	_ =	sdelay $0x1  }
0x8a: {  	s1 =	srdreg.scid  }
0x8b: {  	s0 =	sand.u32 $0x1, s1  }
0x8c: {  	s14 =	sshll.u32 s0, $0xA;
	s2 =	sadd.s32 s3, s2  }
0x8d: {  	s2 =	sadd.s32 s2, s14  }
0x8e: {  	[smem:$0x3FB2] =	sst s2  }
0x8f: {  	_ = 	snop  }
0x90: {  	s2 =	sld [smem:$0x3FC7]  }
0x91: {  	s15 =	sld [smem:$0x3FD0]  }
0x92: {  	s4 =	sld [smem:$0x3FC6]  }
0x93: {  	s5 =	sld [smem:$0x3FC5]  }
0x94: {  	s7 =	simm.s32 $0xA;
	s8 =	simm.s32 $0x10;
	s6 =	sld [smem:$0x3FC4]  }
0x95: {  	[smem:s8], [sflag:s7] =	dma.local [hbm:s15], $0x1  }
0x96: {  	_ =	swait.eq [sflag:s7], $0x1  }
0x97: {  	[sflag:s7] =	ssyncset.done $0x0  }
0x98: {  	s16 =	sld [smem:$0x10];
	[sflag:s7] =	ssyncadd.s32 $0xFFFFFFFF  }
0x99: {  	s17 =	sld [smem:$0x11];
	(tm) =	ssettm $0x1  }
0x9a: {  	s18 =	sld [smem:$0x3FFB];
	_ =	sdelay $0x3  }
0x9b: {  	_ =	strace s18  }
0x9c: {  	s8 =	sld [smem:$0x3FFC];
	_ =	sdelay $0x3  }
0x9d: {  	_ =	strace s8  }
0x9e: {  	s8 =	sld [smem:$0x3FFD];
	_ =	sdelay $0x3  }
0x9f: {  	_ =	strace s8  }
0xa0: {  	_ =	strace $0x8FFFFFFF  }
0xa1: {  	s19 =	sld [smem:$0x3FDB];
	_ =	sdelay $0x1  }
0xa2: {  	s9 =	simm.s32 $_scs_section_size  }
0xa3: {  	s10 =	simm.s32 $_size__tile_overlayer_lowered;
	s11 =	simm.s32 $_tile_overlayer_lowered  }
0xa4: {  	s22 =	simm.s32 $0x1BFF;
	s21 =	sshll.u32 s11, $0x1;
	s8 =	sadd.s32 s9, s19  }
0xa5: {  	s12 =	simm.s32 $0x0;
	s20 =	sshll.u32 s10, $0x1;
	s10 =	sadd.s32 s21, s8  }
0xa6: {  	[timem:s12], [sflag:s22] =	dma.local [hbm:s10], s20  }
0xa7: {  	_ =	swait.ge [sflag:s22], s20  }
0xa8: {  	s9 =	ssub.s32 $0x0, s20;
	[sflag:s22] =	ssyncset.done $0x0  }
0xa9: {  	[sflag:s22] =	ssyncadd.s32 s9;
	_ =	sdelay $0x1  }
0xaa: {  	s23 =	simm.s32 $0x1B8B  }
0xab: {  	_ =	swait.ge [sflag:s23], $0x1  }
0xac: {  	[sflag:s23] =	ssyncset.done $0x0  }
0xad: {  	s25 =	simm.s32 $0x1B8E;
	s24 =	sld [smem:$0x3FFE];
	[sflag:s23] =	ssyncadd.s32 $0xFFFFFFFF  }
0xae: {  	s26 =	simm.s32 $execute0_lowered;
	[smem:$0x3FD2] =	sst s25  }
0xaf: {  	s10 =	sshll.u32 s26, $0x1;
	_ =	strace $0x80000046;
	[dreg:$0x1] =	wrdreg $0xFFFFFFFF  }
0xb0: {  	s28 =	simm.s32 $_size_execute0_lowered;
	s8 =	sadd.s32 s8, s10;
	[dreg:$0x0] =	wrdreg $0x0  }
0xb1: {  	s10 =	sshll.u32 s28, $0x1;
	[dreg:$0x2] =	wrdreg s8  }
0xb2: {  	[dreg:$0x3] =	wrdreg s10  }
0xb3: {  	[dreg:$0x4] =	wrdreg $0xC0  }
0xb4: {  	_ =	task [dreg:s12], $0x5FFFF  }
0xb5: {  	[dreg:$0x1] =	wrdreg $0xFFFFFFFF  }
0xb6: {  	[dreg:$0x0] =	wrdreg $0x60  }
0xb7: {  	[dreg:$0x2] =	wrdreg s16  }
0xb8: {  	[dreg:$0x3] =	wrdreg s17  }
0xb9: {  	[dreg:$0x4] =	wrdreg s2  }
0xba: {  	[dreg:$0x5] =	wrdreg s4  }
0xbb: {  	[dreg:$0x6] =	wrdreg s24  }
0xbc: {  	[dreg:$0x7] =	wrdreg s5  }
0xbd: {  	[dreg:$0x8] =	wrdreg s6  }
0xbe: {  	[dreg:$0x9] =	wrdreg $0x55000  }
0xbf: {  	[dreg:$0xa] =	wrdreg $0x1F5000  }
0xc0: {  	[dreg:$0xb] =	wrdreg $0x9  }
0xc1: {  	_ =	task.clear_ibuf [dreg:s12], $0xCFFFF;
	_ =	strace $0x90000046  }
0xc2: {  	s29 =	simm.s32 $0x9;
	_ =	strace $0x80000048  }
0xc3: {  	_ =	swait.ge [sflag:s29], $0x1  }
0xc4: {  	[sflag:s29] =	ssyncadd.s32 $0xFFFFFFFF  }
0xc5: {  	_ =	strace $0x90000048  }
0xc6: {  	_ =	sfence  }
0xc7: {  	s30 =	sld [smem:$0x0];
	_ =	sdelay $0x2  }
0xc8: {  	s31 =	sshll.u32 s1, $0xD;
	s1 =	sshrl.u32 s1, $0x2  }
0xc9: {  	s3 =	sand.u32 $0x4000, s31;
	s1 =	sadd.s32 s1, s30  }
0xca: {  	s0 =	sor.u32 s3, s0;
	s1 =	sshll.u32 s1, $0x11  }
0xcb: {  	s0 =	sor.u32 s1, s0  }
0xcc: {  	s0 =	sadd.s32 $0x8F2B, s0  }
0xcd: {  	[sflag:s0] =	ssyncadd.remote.s32 $0x1  }
0xce: {  	_ =	sfence.sel $0xFFFF  }
0xcf: {  	[dreg:$0x0] =	wrdreg $0xFFFFFFFF;
	(pc) =	sbr.abs _section_cstart, $3  }
0xd0: {  	[dreg:$0x1] =	wrdreg $0xFFFFFFFF  }
0xd1: {  	_ =	task.clear_ibuf [dreg:s12], $0x2FFFF;
	_ =	strace $0x9FFFFFFF  }
0xd2: {  	(tm) =	ssettm $0x7FFFFFFF  }
0xd3: {  	_ =	shalt  }
tec
execute0_lowered:
.L_overlay_start_1:
0x0: {  	(tag) =	ssettag $0x1  }
0x1: {  	s0 =	rddreg [dreg:$0x0]  }
0x2: {  	s1 =	rddreg [dreg:$0x1]  }
0x3: {  	s2 =	rddreg [dreg:$0x2]  }
0x4: {  	s4 =	rddreg [dreg:$0x3]  }
0x5: {  	s3 =	rddreg [dreg:$0x4]  }
0x6: {  	s5 =	rddreg [dreg:$0x5]  }
0x7: {  	s6 =	rddreg [dreg:$0x6]  }
0x8: {  	s7 =	rddreg [dreg:$0x7]  }
0x9: {  	s8 =	rddreg [dreg:$0x8];
	s23 =	simm.s32 $0x0  }
0xa: {  	s9 =	srdreg.scid;
	s21 =	stileid.u32;
	s28 =	simm.s32 $0x5100  }
0xb: {  	s29 =	simm.s32 $0x2;
	s30 =	simm.s32 $0x5180;
	s31 =	simm.s32 $0x800  }
0xc: {  	[smem:$0x7FF] =	sst s23;
	s9 =	sand.u32 $0x1, s9;
	s10 =	smul.u32 $0x320, s21  }
0xd: {  	s11 =	sadd.s32 $0x7E600, s3;
	s14 =	sadd.s32 $0x146600, s3;
	s22 =	smul.u32 $0x3200, s21  }
0xe: {  	s16 =	sadd.s32 $0x19600, s3;
	s18 =	sadd.s32 $0x7D600, s3;
	s13 =	smul.u32 $0x6400, s9  }
0xf: {  	_ =	strace $0x80000047;
	s12 =	ssub.s32 $0x2, s9;
	s19 =	smul.u32 $0x27100, s9  }
0x10: {  	p0 =	seq.s32 s9, $0x1;
	s9 =	sadd.s32 $0x7DE00, s3;
	s15 =	sshrl.u32 s12, $0x1  }
0x11: {  	s18 =	smov.u32 @p0 s9;
	s12 =	ssub.s32 s12, s15;
	s24 =	sadd.s32 s10, s13  }
0x12: {  	s20 =	sadd.s32 $0x3200, s13;
	s17 =	sshll.u32 s24, $0x4;
	s15 =	sshrl.u32 s24, $0x3  }
0x13: {  	s25 =	sadd.s32 s10, s20;
	s24 =	smul.u32 $0x64000, s21;
	s17 =	sadd.s32 s11, s17  }
0x14: {  	s15 =	sadd.s32 s14, s15;
	s26 =	sshll.u32 s25, $0x4;
	[dreg:$0xa] =	wrdreg s17  }
0x15: {  	[dreg:$0xb] =	wrdreg s15;
	s15 =	sshrl.u32 s25, $0x3;
	s11 =	sadd.s32 s11, s26  }
0x16: {  	s17 =	smul.u32 $0x2710, s21;
	s25 =	sshrl.u32 s10, $0x3;
	s26 =	sshrl.u32 s24, $0x2  }
0x17: {  	s24 =	sadd.s32 s10, s8;
	[dreg:$0xc] =	wrdreg s11;
	s15 =	sadd.s32 s14, s15  }
0x18: {  	s14 =	sadd.s32 $0x4B600, s3;
	s9 =	sadd.s32 s18, s25;
	[dreg:$0x14] =	wrdreg s24  }
0x19: {  	s18 =	sadd.s32 s26, s7;
	s26 =	smul.u32 $0x4E20, s21;
	[dreg:$0xd] =	wrdreg s15  }
0x1a: {  	v0 =	vmov s13;
	s25 =	sadd.s32 $0x6400, s13;
	s13 =	simm.s32 $0x1;
	[dreg:$0xf] =	wrdreg s9  }
0x1b: {  	s16 =	smov.u32 @p0 s14;
	s14 =	sadd.s32 $0x16000, s3;
	[dreg:$0x13] =	wrdreg s18  }
0x1c: {  	s15 =	sadd.s32 s17, s19;
	s11 =	sadd.s32 s16, s22;
	[dreg:$0x10] =	wrdreg s14  }
0x1d: {  	s17 =	sadd.s32 $0x2400, s3;
	s16 =	sadd.s32 $0x19200, s3;
	[dreg:$0xe] =	wrdreg s11  }
0x1e: {  	s19 =	sadd.s32 $0xC200, s3;
	s3 =	sadd.s32 $0x19400, s3;
	[dreg:$0x11] =	wrdreg s16  }
0x1f: {  	s9 =	simm.s32 $0x50;
	s22 =	smax.u32 s12, $0x1;
	[dreg:$0x12] =	wrdreg s3  }
0x20: {  	s12 =	simm.s32 $0x2900;
	s14 =	simm.s32 $0x2880;
	[dreg:$0x15] =	wrdreg s22  }
0x21: {  	v1 =	vmov s20;
	v2 =	vmov s25;
	s3 =	simm.s32 $0x1000;
	s11 =	simm.s32 $0x2800;
	s16 =	simm.s32 $0x0  }
.LBB2_1:
0x22: {  	s10 =	rddreg [dreg:$0x12];
	s18 =	stileid.u32  }
0x23: {  	[tilespmem:s28], [sflag:$0x2] =	stream.linear.gather [hbm4b:s10+s23], $0x80, $0x38;
	[tilespmem:$0x1F840] =	vst v63  }
0x24: {  	s10 =	sshll.u32 s18, $0x6;
	_ =	swait.ge [sflag:s29], $0x80  }
0x25: {  	s18 =	sor.u32 $0x1C02, s10;
	[sflag:s29] =	ssyncset.done $0x0;
	s20 =	rddreg [dreg:$0x13]  }
0x26: {  	s21 =	rddreg [dreg:$0x10];
	[sflag:s29] =	ssyncadd.s32 $0xFFFFFF80;
	s22 =	sshrl.u32 s20, $0x3  }
0x27: {  	[spmem:s22], [sflag:s18] =	dma.local [hbm:s21], $0x3200  }
0x28: {  	_ =	swait.ge [sflag:s29], $0x3200  }
0x29: {  	[sflag:s29] =	ssyncset.done $0x0  }
0x2a: {  	s25 =	rddreg [dreg:$0x11];
	[sflag:s29] =	ssyncadd.s32 $0xFFFFCE00  }
0x2b: {  	[tilespmem:s30], [sflag:$0x2] =	stream.linear.gather [hbm4b:s25+s23], $0x380, $0x38;
	[tilespmem:$0x1F840] =	vst v63  }
0x2c: {  	_ =	swait.ge [sflag:s29], $0x380  }
0x2d: {  	[sflag:s29] =	ssyncset.done $0x0  }
0x2e: {  	[sflag:s29] =	ssyncadd.s32 $0xFFFFFC80  }
0x2f: {  	[spmem:s24] =	stream.linear.scatter [tilespmem:s30], [sflag:$0x2], $0x320, $0x38;
	[tilespmem:$0x1F840] =	vst v63  }
0x30: {  	_ =	swait.ge [sflag:s29], $0x320  }
0x31: {  	[sflag:s29] =	ssyncset.done $0x0  }
0x32: {  	[sflag:s29] =	ssyncadd.s32 $0xFFFFFCE0  }
0x33: {  	s23 =	simm.s32 $0x0;
	[bflag:$0x0] =	sbarrier.arrive $0xFFFF  }
.LBB2_2:
0x34: {  	s10 =	smul.u32 $0x7D0, s23;
	_ =	sdelay $0x1  }
0x35: {  	s10 =	sadd.s32 s26, s10  }
0x36: {  	s10 =	sshrl.u32 s10, $0x3  }
0x37: {  	s21 =	simm.s32 $0x0;
	s20 =	sadd.s32 s2, s10  }
0x38: {  	[tilespmem:s21], [sflag:$0x2] =	stream.linear.gather [hbm4b:s20+s21], $0x7D0, $0x38;
	[tilespmem:$0x1F840] =	vst v63  }
0x39: {  	_ =	swait.ge [sflag:s29], $0x7D0  }
0x3a: {  	[sflag:s29] =	ssyncset.done $0x0  }
0x3b: {  	s25 =	sadd.s32 s4, s10;
	[sflag:s29] =	ssyncadd.s32 $0xFFFFF830  }
0x3c: {  	[tilespmem:s31], [sflag:$0x2] =	stream.linear.gather [hbm4b:s25+s21], $0x7D0, $0x38;
	[tilespmem:$0x1F840] =	vst v63  }
0x3d: {  	_ =	swait.ge [sflag:s29], $0x7D0  }
0x3e: {  	[sflag:s29] =	ssyncset.done $0x0  }
0x3f: {  	s10 =	sadd.s32 s17, s10;
	[sflag:s29] =	ssyncadd.s32 $0xFFFFF830  }
0x40: {  	[tilespmem:s3], [sflag:$0x2] =	stream.linear.gather [hbm4b:s10+s21], $0x7D0, $0x38;
	[tilespmem:$0x1F840] =	vst v63  }
0x41: {  	_ =	swait.ge [sflag:s29], $0x7D0  }
0x42: {  	[sflag:s29] =	ssyncset.done $0x0  }
0x43: {  	s20 =	simm.s32 $0x0;
	[sflag:s29] =	ssyncadd.s32 $0xFFFFF830  }
0x44: {  	v6 =	vld [tilespmem:s20+$0x0]  }
0x45: {  	v5 =	vld [tilespmem:s20+$0x800]  }
0x46: {  	v4 =	vld [tilespmem:s20+$0x1000];
	_ =	sdelay $0x2  }
0x47: {  	s10 =	simm.s32 $0x10  }
0x48: {  	v3 =	vld [tilespmem:s10+$0x0];
	vm0 =	vge.s32 v5, v0;
	vm1 =	vlt.s32 v5, v1  }
0x49: {  	vm15 =	vgt.f32 v4, $5.000000000e-01;
	v7 =	vand.u32 $0x1FF, v6;
	v4 =	vld [tilespmem:s10+$0x800];
	vm0 =	vmand vm0, vm1  }
0x4a: {  	v8 =	vsub.s32 v5, v0;
	v5 =	vld [tilespmem:s10+$0x1000];
	v7 =	vor.u32 $0x3200, v7;
	vm0 =	vmand vm0, vm15  }
0x4b: {  	v7 =	vsel vm0, v8, v7  }
0x4c: {  	s21 =	simm.s32 $0x80;
	v6 =	vnsel vm0, $0x0, v6;
	[tilespmem:s20+$0x2000] =	vst v7  }
.LBB2_3:
0x4d: {  	[tilespmem:s20+$0x1800] =	vst v6;
	v6 =	vmov v3;
	s20 =	smov.u32 s10;
	s10 =	sshra.s32 s21, $0x2;
	p0 =	sne.s32 s21, $0x1F00  }
.Ltmp0:
0x4e: {  	s21 =	sadd.s32 $0x40, s21;
	v3 =	vld [tilespmem:s10+$0x0];
	vm0 =	vge.s32 v4, v0;
	vm1 =	vlt.s32 v4, v1;
	v7 =	vmov v4;
	(pc) =	sbr.rel @p0 .LBB2_3-.Ltmp0, $4  }
0x4f: {  	v8 =	vand.u32 $0x1FF, v6;
	v4 =	vld [tilespmem:s10+$0x800];
	vm0 =	vmand vm0, vm1;
	vm1 =	vgt.f32 v5, $5.000000000e-01  }
0x50: {  	v7 =	vsub.s32 v7, v0;
	v8 =	vor.u32 $0x3200, v8;
	v5 =	vld [tilespmem:s10+$0x1000];
	vm0 =	vmand vm0, vm1  }
0x51: {  	v6 =	vnsel vm0, $0x0, v6;
	v7 =	vsel vm0, v7, v8  }
0x52: {  	[tilespmem:s20+$0x2000] =	vst v7  }
0x53: {  	_ = 	snop  }
0x54: {  	vm0 =	vge.s32 v4, v0;
	vm1 =	vlt.s32 v4, v1  }
0x55: {  	v62 =	vand.u32 $0x1FF, v3;
	vm0 =	vmand vm0, vm1;
	vm15 =	vgt.f32 v5, $5.000000000e-01  }
0x56: {  	v63 =	vsub.s32 v4, v0;
	v5 =	vor.u32 $0x3200, v62;
	vm0 =	vmand vm0, vm15  }
0x57: {  	[tilespmem:s20+$0x1800] =	vst v6;
	v4 =	vsel vm0, v63, v5  }
0x58: {  	v3 =	vnsel vm0, $0x0, v3;
	[tilespmem:s10+$0x2000] =	vst v4  }
0x59: {  	s25 =	simm.s32 $0x0;
	[tilespmem:s10+$0x1800] =	vst v3  }
0x5a: {  	v3 =	vld [tilespmem:s25+$0x1800];
	_ =	sdelay $0x4  }
0x5b: {  	[tilespmem:$0x2800] =	vst v3  }
0x5c: {  	v3 =	vld [tilespmem:s25+$0x2000];
	_ =	sdelay $0x4  }
0x5d: {  	[tilespmem:$0x2880] =	vst v3  }
0x5e: {  	v3 =	vld [tilespmem:s25+$0x1810];
	_ =	sdelay $0x4  }
0x5f: {  	[tilespmem:$0x2810] =	vst v3  }
0x60: {  	v3 =	vld [tilespmem:s25+$0x2010];
	_ =	sdelay $0x4  }
0x61: {  	[tilespmem:$0x2890] =	vst v3  }
0x62: {  	v3 =	vld [tilespmem:s25+$0x1820];
	_ =	sdelay $0x4  }
0x63: {  	[tilespmem:$0x2820] =	vst v3  }
0x64: {  	v3 =	vld [tilespmem:s25+$0x2020];
	_ =	sdelay $0x4  }
0x65: {  	[tilespmem:$0x28A0] =	vst v3  }
0x66: {  	v3 =	vld [tilespmem:s25+$0x1830];
	_ =	sdelay $0x4  }
0x67: {  	[tilespmem:$0x2830] =	vst v3  }
0x68: {  	v3 =	vld [tilespmem:s25+$0x2030];
	_ =	sdelay $0x4  }
0x69: {  	[tilespmem:$0x28B0] =	vst v3  }
0x6a: {  	v3 =	vld [tilespmem:s25+$0x1840];
	_ =	sdelay $0x4  }
0x6b: {  	[tilespmem:$0x2840] =	vst v3  }
0x6c: {  	v3 =	vld [tilespmem:s25+$0x2040];
	_ =	sdelay $0x4  }
0x6d: {  	[tilespmem:$0x28C0] =	vst v3  }
0x6e: {  	[tilespmem:s12], [sflag:$0x1] =	stream.indirect.gather [hbm4b:s0+s9], $0x80, s11, s9, $0xb8;
	[tilespmem:$0x1F840] =	vst v63  }
0x6f: {  	_ =	swait.ge [sflag:s13], $0x2800  }
0x70: {  	[sflag:s13] =	ssyncset.done $0x0  }
0x71: {  	[sflag:s13] =	ssyncadd.s32 $0xFFFFD800  }
0x72: {  	[spmem:s7] =	stream.indirect.scatter.add.f32 [tilespmem:s12], [sflag:$0x2], $0x80, s14, s9, $0xb8;
	[tilespmem:$0x1F840] =	vst v63  }
0x73: {  	_ =	swait.ge [sflag:s29], $0x2800  }
0x74: {  	[sflag:s29] =	ssyncset.done $0x0  }
0x75: {  	[sflag:s29] =	ssyncadd.s32 $0xFFFFD800  }
0x76: {  	[spmem:s8] =	stream.indirect.scatter.add.f32 [tilespmem:s28], [sflag:$0x2], $0x1, s14, s9, $0xb8;
	[tilespmem:$0x1F840] =	vst v63  }
0x77: {  	_ =	swait.ge [sflag:s29], $0x50  }
0x78: {  	s21 =	simm.s32 $0x280;
	s25 =	simm.s32 $0x140;
	[sflag:s29] =	ssyncset.done $0x0  }
.LBB2_5:
0x79: {  	s20 =	sshra.s32 s25, $0x2  }
0x7a: {  	[sflag:s29] =	ssyncadd.s32 $0xFFFFFFB0;
	s25 =	smov.u32 s21;
	s10 =	sadd.s32 $0x140, s21  }
0x7b: {  	p0 =	sne.s32 s21, $0x1E00;
	v3 =	vld [tilespmem:s20+$0x1800];
	_ =	sdelay $0x4  }
0x7c: {  	[tilespmem:$0x2800] =	vst v3  }
0x7d: {  	v3 =	vld [tilespmem:s20+$0x2000];
	_ =	sdelay $0x4  }
0x7e: {  	[tilespmem:$0x2880] =	vst v3  }
0x7f: {  	v3 =	vld [tilespmem:s20+$0x1810];
	_ =	sdelay $0x4  }
0x80: {  	[tilespmem:$0x2810] =	vst v3  }
0x81: {  	v3 =	vld [tilespmem:s20+$0x2010];
	_ =	sdelay $0x4  }
0x82: {  	[tilespmem:$0x2890] =	vst v3  }
0x83: {  	v3 =	vld [tilespmem:s20+$0x1820];
	_ =	sdelay $0x4  }
0x84: {  	[tilespmem:$0x2820] =	vst v3  }
0x85: {  	v3 =	vld [tilespmem:s20+$0x2020];
	_ =	sdelay $0x4  }
0x86: {  	[tilespmem:$0x28A0] =	vst v3  }
0x87: {  	v3 =	vld [tilespmem:s20+$0x1830];
	_ =	sdelay $0x4  }
0x88: {  	[tilespmem:$0x2830] =	vst v3  }
0x89: {  	v3 =	vld [tilespmem:s20+$0x2030];
	_ =	sdelay $0x4  }
0x8a: {  	[tilespmem:$0x28B0] =	vst v3  }
0x8b: {  	v3 =	vld [tilespmem:s20+$0x1840];
	_ =	sdelay $0x4  }
0x8c: {  	[tilespmem:$0x2840] =	vst v3  }
0x8d: {  	v3 =	vld [tilespmem:s20+$0x2040];
	_ =	sdelay $0x4  }
0x8e: {  	[tilespmem:$0x28C0] =	vst v3  }
0x8f: {  	[tilespmem:s12], [sflag:$0x1] =	stream.indirect.gather [hbm4b:s0+s9], $0x80, s11, s9, $0xb8;
	[tilespmem:$0x1F840] =	vst v63  }
0x90: {  	_ =	swait.ge [sflag:s13], $0x2800  }
0x91: {  	[sflag:s13] =	ssyncset.done $0x0  }
0x92: {  	[sflag:s13] =	ssyncadd.s32 $0xFFFFD800  }
0x93: {  	[spmem:s7] =	stream.indirect.scatter.add.f32 [tilespmem:s12], [sflag:$0x2], $0x80, s14, s9, $0xb8;
	[tilespmem:$0x1F840] =	vst v63  }
0x94: {  	_ =	swait.ge [sflag:s29], $0x2800  }
.Ltmp1:
0x95: {  	[sflag:s29] =	ssyncset.done $0x0;
	(pc) =	sbr.rel @p0 .LBB2_5-.Ltmp1, $4  }
0x96: {  	[sflag:s29] =	ssyncadd.s32 $0xFFFFD800  }
0x97: {  	[spmem:s8] =	stream.indirect.scatter.add.f32 [tilespmem:s28], [sflag:$0x2], $0x1, s14, s9, $0xb8;
	[tilespmem:$0x1F840] =	vst v63  }
0x98: {  	_ =	swait.ge [sflag:s29], $0x50  }
0x99: {  	s21 =	smov.u32 s10;
	[sflag:s29] =	ssyncset.done $0x0  }
0x9a: {  	s10 =	sshra.s32 s25, $0x2;
	[sflag:s29] =	ssyncadd.s32 $0xFFFFFFB0  }
0x9b: {  	v3 =	vld [tilespmem:s10+$0x1800];
	_ =	sdelay $0x4  }
0x9c: {  	[tilespmem:$0x2800] =	vst v3  }
0x9d: {  	v3 =	vld [tilespmem:s10+$0x2000];
	_ =	sdelay $0x4  }
0x9e: {  	[tilespmem:$0x2880] =	vst v3  }
0x9f: {  	v3 =	vld [tilespmem:s10+$0x1810];
	_ =	sdelay $0x4  }
0xa0: {  	[tilespmem:$0x2810] =	vst v3  }
0xa1: {  	v3 =	vld [tilespmem:s10+$0x2010];
	_ =	sdelay $0x4  }
0xa2: {  	[tilespmem:$0x2890] =	vst v3  }
0xa3: {  	v3 =	vld [tilespmem:s10+$0x1820];
	_ =	sdelay $0x4  }
0xa4: {  	[tilespmem:$0x2820] =	vst v3  }
0xa5: {  	v3 =	vld [tilespmem:s10+$0x2020];
	_ =	sdelay $0x4  }
0xa6: {  	[tilespmem:$0x28A0] =	vst v3  }
0xa7: {  	v3 =	vld [tilespmem:s10+$0x1830];
	_ =	sdelay $0x4  }
0xa8: {  	[tilespmem:$0x2830] =	vst v3  }
0xa9: {  	v3 =	vld [tilespmem:s10+$0x2030];
	_ =	sdelay $0x4  }
0xaa: {  	[tilespmem:$0x28B0] =	vst v3  }
0xab: {  	v3 =	vld [tilespmem:s10+$0x1840];
	_ =	sdelay $0x4  }
0xac: {  	[tilespmem:$0x2840] =	vst v3  }
0xad: {  	v3 =	vld [tilespmem:s10+$0x2040];
	_ =	sdelay $0x4  }
0xae: {  	[tilespmem:$0x28C0] =	vst v3  }
0xaf: {  	[tilespmem:s12], [sflag:$0x1] =	stream.indirect.gather [hbm4b:s0+s9], $0x80, s11, s9, $0xb8;
	[tilespmem:$0x1F840] =	vst v63  }
0xb0: {  	_ =	swait.ge [sflag:s13], $0x2800  }
0xb1: {  	[sflag:s13] =	ssyncset.done $0x0  }
0xb2: {  	[sflag:s13] =	ssyncadd.s32 $0xFFFFD800  }
0xb3: {  	[spmem:s7] =	stream.indirect.scatter.add.f32 [tilespmem:s12], [sflag:$0x2], $0x80, s14, s9, $0xb8;
	[tilespmem:$0x1F840] =	vst v63  }
0xb4: {  	s23 =	sadd.s32 $0x1, s23;
	_ =	swait.ge [sflag:s29], $0x2800  }
0xb5: {  	p0 =	sne.s32 s23, $0xA;
	[sflag:s29] =	ssyncset.done $0x0  }
.Ltmp2:
0xb6: {  	[sflag:s29] =	ssyncadd.s32 $0xFFFFD800;
	(pc) =	sbr.rel @p0 .LBB2_2-.Ltmp2, $4  }
0xb7: {  	[spmem:s8] =	stream.indirect.scatter.add.f32 [tilespmem:s28], [sflag:$0x2], $0x1, s14, s9, $0xb8;
	[tilespmem:$0x1F840] =	vst v63  }
0xb8: {  	_ =	swait.ge [sflag:s29], $0x50  }
0xb9: {  	[sflag:s29] =	ssyncset.done $0x0  }
0xba: {  	[sflag:s29] =	ssyncadd.s32 $0xFFFFFFB0  }
0xbb: {  	[bflag:$0x0] =	sbarrier.arrive $0xFFFF  }
0xbc: {  	s10 =	rddreg [dreg:$0xa]  }
0xbd: {  	[hbm:s10], [sflag:s18] =	dma.local [spmem:s22], $0x3200  }
0xbe: {  	_ =	swait.ge [sflag:s29], $0x3200  }
0xbf: {  	[sflag:s29] =	ssyncset.done $0x0  }
0xc0: {  	[sflag:s29] =	ssyncadd.s32 $0xFFFFCE00  }
0xc1: {  	[tilespmem:s30], [sflag:$0x2] =	stream.linear.gather [spmem:s24], $0x320, $0x38;
	[tilespmem:$0x1F840] =	vst v63  }
0xc2: {  	_ =	swait.ge [sflag:s29], $0x320  }
0xc3: {  	[sflag:s29] =	ssyncset.done $0x0  }
0xc4: {  	s23 =	simm.s32 $0x0;
	s20 =	rddreg [dreg:$0xb];
	[sflag:s29] =	ssyncadd.s32 $0xFFFFFCE0  }
0xc5: {  	[hbm4b:s20+s23] =	stream.linear.scatter [tilespmem:s30], [sflag:$0x2], $0x320, $0x38;
	[tilespmem:$0x1F840] =	vst v63  }
0xc6: {  	_ =	swait.ge [sflag:s29], $0x320  }
0xc7: {  	[sflag:s29] =	ssyncset.done $0x0  }
0xc8: {  	s21 =	rddreg [dreg:$0x10];
	[sflag:s29] =	ssyncadd.s32 $0xFFFFFCE0  }
0xc9: {  	[spmem:s22], [sflag:s18] =	dma.local [hbm:s21], $0x3200  }
0xca: {  	_ =	swait.ge [sflag:s29], $0x3200  }
0xcb: {  	[sflag:s29] =	ssyncset.done $0x0  }
0xcc: {  	s25 =	rddreg [dreg:$0x11];
	[sflag:s29] =	ssyncadd.s32 $0xFFFFCE00  }
0xcd: {  	[tilespmem:s30], [sflag:$0x2] =	stream.linear.gather [hbm4b:s25+s23], $0x380, $0x38;
	[tilespmem:$0x1F840] =	vst v63  }
0xce: {  	_ =	swait.ge [sflag:s29], $0x380  }
0xcf: {  	[sflag:s29] =	ssyncset.done $0x0  }
0xd0: {  	[sflag:s29] =	ssyncadd.s32 $0xFFFFFC80  }
0xd1: {  	[spmem:s24] =	stream.linear.scatter [tilespmem:s30], [sflag:$0x2], $0x320, $0x38;
	[tilespmem:$0x1F840] =	vst v63  }
0xd2: {  	_ =	swait.ge [sflag:s29], $0x320  }
0xd3: {  	[sflag:s29] =	ssyncset.done $0x0  }
0xd4: {  	[sflag:s29] =	ssyncadd.s32 $0xFFFFFCE0  }
0xd5: {  	s25 =	simm.s32 $0x0;
	[bflag:$0x0] =	sbarrier.arrive $0xFFFF  }
.LBB2_8:
0xd6: {  	s10 =	smul.u32 $0x7D0, s25;
	_ =	sdelay $0x1  }
0xd7: {  	s10 =	sadd.s32 s26, s10  }
0xd8: {  	s10 =	sshrl.u32 s10, $0x3  }
0xd9: {  	s20 =	sadd.s32 s2, s10  }
0xda: {  	[tilespmem:s23], [sflag:$0x2] =	stream.linear.gather [hbm4b:s20+s23], $0x7D0, $0x38;
	[tilespmem:$0x1F840] =	vst v63  }
0xdb: {  	_ =	swait.ge [sflag:s29], $0x7D0  }
0xdc: {  	[sflag:s29] =	ssyncset.done $0x0  }
0xdd: {  	s24 =	sadd.s32 s4, s10;
	[sflag:s29] =	ssyncadd.s32 $0xFFFFF830  }
0xde: {  	[tilespmem:s31], [sflag:$0x2] =	stream.linear.gather [hbm4b:s24+s23], $0x7D0, $0x38;
	[tilespmem:$0x1F840] =	vst v63  }
0xdf: {  	_ =	swait.ge [sflag:s29], $0x7D0  }
0xe0: {  	[sflag:s29] =	ssyncset.done $0x0  }
0xe1: {  	s10 =	sadd.s32 s17, s10;
	[sflag:s29] =	ssyncadd.s32 $0xFFFFF830  }
0xe2: {  	[tilespmem:s3], [sflag:$0x2] =	stream.linear.gather [hbm4b:s10+s23], $0x7D0, $0x38;
	[tilespmem:$0x1F840] =	vst v63  }
0xe3: {  	_ =	swait.ge [sflag:s29], $0x7D0  }
0xe4: {  	[sflag:s29] =	ssyncset.done $0x0  }
0xe5: {  	s20 =	simm.s32 $0x0;
	[sflag:s29] =	ssyncadd.s32 $0xFFFFF830  }
0xe6: {  	v6 =	vld [tilespmem:s20+$0x0]  }
0xe7: {  	v5 =	vld [tilespmem:s20+$0x800]  }
0xe8: {  	v4 =	vld [tilespmem:s20+$0x1000];
	_ =	sdelay $0x2  }
0xe9: {  	s10 =	simm.s32 $0x10  }
0xea: {  	v3 =	vld [tilespmem:s10+$0x0];
	vm0 =	vge.s32 v5, v1;
	vm1 =	vlt.s32 v5, v2  }
0xeb: {  	vm15 =	vgt.f32 v4, $5.000000000e-01;
	v7 =	vand.u32 $0x1FF, v6;
	v4 =	vld [tilespmem:s10+$0x800];
	vm0 =	vmand vm0, vm1  }
0xec: {  	v8 =	vsub.s32 v5, v1;
	v5 =	vld [tilespmem:s10+$0x1000];
	v7 =	vor.u32 $0x3200, v7;
	vm0 =	vmand vm0, vm15  }
0xed: {  	v7 =	vsel vm0, v8, v7  }
0xee: {  	s21 =	simm.s32 $0x80;
	v6 =	vnsel vm0, $0x0, v6;
	[tilespmem:s20+$0x2000] =	vst v7  }
.LBB2_9:
0xef: {  	[tilespmem:s20+$0x1800] =	vst v6;
	v6 =	vmov v3;
	s20 =	smov.u32 s10;
	s10 =	sshra.s32 s21, $0x2;
	p0 =	sne.s32 s21, $0x1F00  }
.Ltmp3:
0xf0: {  	s21 =	sadd.s32 $0x40, s21;
	v3 =	vld [tilespmem:s10+$0x0];
	vm0 =	vge.s32 v4, v1;
	vm1 =	vlt.s32 v4, v2;
	v7 =	vmov v4;
	(pc) =	sbr.rel @p0 .LBB2_9-.Ltmp3, $4  }
0xf1: {  	v8 =	vand.u32 $0x1FF, v6;
	v4 =	vld [tilespmem:s10+$0x800];
	vm0 =	vmand vm0, vm1;
	vm1 =	vgt.f32 v5, $5.000000000e-01  }
0xf2: {  	v7 =	vsub.s32 v7, v1;
	v8 =	vor.u32 $0x3200, v8;
	v5 =	vld [tilespmem:s10+$0x1000];
	vm0 =	vmand vm0, vm1  }
0xf3: {  	v6 =	vnsel vm0, $0x0, v6;
	v7 =	vsel vm0, v7, v8  }
0xf4: {  	[tilespmem:s20+$0x2000] =	vst v7  }
0xf5: {  	_ = 	snop  }
0xf6: {  	vm0 =	vge.s32 v4, v1;
	vm1 =	vlt.s32 v4, v2  }
0xf7: {  	v62 =	vand.u32 $0x1FF, v3;
	vm0 =	vmand vm0, vm1;
	vm15 =	vgt.f32 v5, $5.000000000e-01  }
0xf8: {  	v63 =	vsub.s32 v4, v1;
	v5 =	vor.u32 $0x3200, v62;
	vm0 =	vmand vm0, vm15  }
0xf9: {  	[tilespmem:s20+$0x1800] =	vst v6;
	v4 =	vsel vm0, v63, v5  }
0xfa: {  	v3 =	vnsel vm0, $0x0, v3;
	[tilespmem:s10+$0x2000] =	vst v4  }
0xfb: {  	s24 =	simm.s32 $0x0;
	[tilespmem:s10+$0x1800] =	vst v3  }
0xfc: {  	v3 =	vld [tilespmem:s24+$0x1800];
	_ =	sdelay $0x4  }
0xfd: {  	[tilespmem:$0x2800] =	vst v3  }
0xfe: {  	v3 =	vld [tilespmem:s24+$0x2000];
	_ =	sdelay $0x4  }
0xff: {  	[tilespmem:$0x2880] =	vst v3  }
0x100: {  	v3 =	vld [tilespmem:s24+$0x1810];
	_ =	sdelay $0x4  }
0x101: {  	[tilespmem:$0x2810] =	vst v3  }
0x102: {  	v3 =	vld [tilespmem:s24+$0x2010];
	_ =	sdelay $0x4  }
0x103: {  	[tilespmem:$0x2890] =	vst v3  }
0x104: {  	v3 =	vld [tilespmem:s24+$0x1820];
	_ =	sdelay $0x4  }
0x105: {  	[tilespmem:$0x2820] =	vst v3  }
0x106: {  	v3 =	vld [tilespmem:s24+$0x2020];
	_ =	sdelay $0x4  }
0x107: {  	[tilespmem:$0x28A0] =	vst v3  }
0x108: {  	v3 =	vld [tilespmem:s24+$0x1830];
	_ =	sdelay $0x4  }
0x109: {  	[tilespmem:$0x2830] =	vst v3  }
0x10a: {  	v3 =	vld [tilespmem:s24+$0x2030];
	_ =	sdelay $0x4  }
0x10b: {  	[tilespmem:$0x28B0] =	vst v3  }
0x10c: {  	v3 =	vld [tilespmem:s24+$0x1840];
	_ =	sdelay $0x4  }
0x10d: {  	[tilespmem:$0x2840] =	vst v3  }
0x10e: {  	v3 =	vld [tilespmem:s24+$0x2040];
	_ =	sdelay $0x4  }
0x10f: {  	[tilespmem:$0x28C0] =	vst v3  }
0x110: {  	[tilespmem:s12], [sflag:$0x1] =	stream.indirect.gather [hbm4b:s0+s9], $0x80, s11, s9, $0xb8;
	[tilespmem:$0x1F840] =	vst v63  }
0x111: {  	_ =	swait.ge [sflag:s13], $0x2800  }
0x112: {  	[sflag:s13] =	ssyncset.done $0x0  }
0x113: {  	[sflag:s13] =	ssyncadd.s32 $0xFFFFD800  }
0x114: {  	[spmem:s7] =	stream.indirect.scatter.add.f32 [tilespmem:s12], [sflag:$0x2], $0x80, s14, s9, $0xb8;
	[tilespmem:$0x1F840] =	vst v63  }
0x115: {  	_ =	swait.ge [sflag:s29], $0x2800  }
0x116: {  	[sflag:s29] =	ssyncset.done $0x0  }
0x117: {  	[sflag:s29] =	ssyncadd.s32 $0xFFFFD800  }
0x118: {  	[spmem:s8] =	stream.indirect.scatter.add.f32 [tilespmem:s28], [sflag:$0x2], $0x1, s14, s9, $0xb8;
	[tilespmem:$0x1F840] =	vst v63  }
0x119: {  	_ =	swait.ge [sflag:s29], $0x50  }
0x11a: {  	s20 =	simm.s32 $0x280;
	s10 =	simm.s32 $0x140;
	[sflag:s29] =	ssyncset.done $0x0  }
.LBB2_11:
0x11b: {  	s21 =	sshra.s32 s10, $0x2  }
0x11c: {  	[sflag:s29] =	ssyncadd.s32 $0xFFFFFFB0;
	s10 =	smov.u32 s20;
	s24 =	sadd.s32 $0x140, s20  }
0x11d: {  	p0 =	sne.s32 s20, $0x1E00;
	v3 =	vld [tilespmem:s21+$0x1800];
	_ =	sdelay $0x4  }
0x11e: {  	[tilespmem:$0x2800] =	vst v3  }
0x11f: {  	v3 =	vld [tilespmem:s21+$0x2000];
	_ =	sdelay $0x4  }
0x120: {  	[tilespmem:$0x2880] =	vst v3  }
0x121: {  	v3 =	vld [tilespmem:s21+$0x1810];
	_ =	sdelay $0x4  }
0x122: {  	[tilespmem:$0x2810] =	vst v3  }
0x123: {  	v3 =	vld [tilespmem:s21+$0x2010];
	_ =	sdelay $0x4  }
0x124: {  	[tilespmem:$0x2890] =	vst v3  }
0x125: {  	v3 =	vld [tilespmem:s21+$0x1820];
	_ =	sdelay $0x4  }
0x126: {  	[tilespmem:$0x2820] =	vst v3  }
0x127: {  	v3 =	vld [tilespmem:s21+$0x2020];
	_ =	sdelay $0x4  }
0x128: {  	[tilespmem:$0x28A0] =	vst v3  }
0x129: {  	v3 =	vld [tilespmem:s21+$0x1830];
	_ =	sdelay $0x4  }
0x12a: {  	[tilespmem:$0x2830] =	vst v3  }
0x12b: {  	v3 =	vld [tilespmem:s21+$0x2030];
	_ =	sdelay $0x4  }
0x12c: {  	[tilespmem:$0x28B0] =	vst v3  }
0x12d: {  	v3 =	vld [tilespmem:s21+$0x1840];
	_ =	sdelay $0x4  }
0x12e: {  	[tilespmem:$0x2840] =	vst v3  }
0x12f: {  	v3 =	vld [tilespmem:s21+$0x2040];
	_ =	sdelay $0x4  }
0x130: {  	[tilespmem:$0x28C0] =	vst v3  }
0x131: {  	[tilespmem:s12], [sflag:$0x1] =	stream.indirect.gather [hbm4b:s0+s9], $0x80, s11, s9, $0xb8;
	[tilespmem:$0x1F840] =	vst v63  }
0x132: {  	_ =	swait.ge [sflag:s13], $0x2800  }
0x133: {  	[sflag:s13] =	ssyncset.done $0x0  }
0x134: {  	[sflag:s13] =	ssyncadd.s32 $0xFFFFD800  }
0x135: {  	[spmem:s7] =	stream.indirect.scatter.add.f32 [tilespmem:s12], [sflag:$0x2], $0x80, s14, s9, $0xb8;
	[tilespmem:$0x1F840] =	vst v63  }
0x136: {  	_ =	swait.ge [sflag:s29], $0x2800  }
.Ltmp4:
0x137: {  	[sflag:s29] =	ssyncset.done $0x0;
	(pc) =	sbr.rel @p0 .LBB2_11-.Ltmp4, $4  }
0x138: {  	[sflag:s29] =	ssyncadd.s32 $0xFFFFD800  }
0x139: {  	[spmem:s8] =	stream.indirect.scatter.add.f32 [tilespmem:s28], [sflag:$0x2], $0x1, s14, s9, $0xb8;
	[tilespmem:$0x1F840] =	vst v63  }
0x13a: {  	_ =	swait.ge [sflag:s29], $0x50  }
0x13b: {  	s20 =	smov.u32 s24;
	[sflag:s29] =	ssyncset.done $0x0  }
0x13c: {  	s10 =	sshra.s32 s10, $0x2;
	[sflag:s29] =	ssyncadd.s32 $0xFFFFFFB0  }
0x13d: {  	v3 =	vld [tilespmem:s10+$0x1800];
	_ =	sdelay $0x4  }
0x13e: {  	[tilespmem:$0x2800] =	vst v3  }
0x13f: {  	v3 =	vld [tilespmem:s10+$0x2000];
	_ =	sdelay $0x4  }
0x140: {  	[tilespmem:$0x2880] =	vst v3  }
0x141: {  	v3 =	vld [tilespmem:s10+$0x1810];
	_ =	sdelay $0x4  }
0x142: {  	[tilespmem:$0x2810] =	vst v3  }
0x143: {  	v3 =	vld [tilespmem:s10+$0x2010];
	_ =	sdelay $0x4  }
0x144: {  	[tilespmem:$0x2890] =	vst v3  }
0x145: {  	v3 =	vld [tilespmem:s10+$0x1820];
	_ =	sdelay $0x4  }
0x146: {  	[tilespmem:$0x2820] =	vst v3  }
0x147: {  	v3 =	vld [tilespmem:s10+$0x2020];
	_ =	sdelay $0x4  }
0x148: {  	[tilespmem:$0x28A0] =	vst v3  }
0x149: {  	v3 =	vld [tilespmem:s10+$0x1830];
	_ =	sdelay $0x4  }
0x14a: {  	[tilespmem:$0x2830] =	vst v3  }
0x14b: {  	v3 =	vld [tilespmem:s10+$0x2030];
	_ =	sdelay $0x4  }
0x14c: {  	[tilespmem:$0x28B0] =	vst v3  }
0x14d: {  	v3 =	vld [tilespmem:s10+$0x1840];
	_ =	sdelay $0x4  }
0x14e: {  	[tilespmem:$0x2840] =	vst v3  }
0x14f: {  	v3 =	vld [tilespmem:s10+$0x2040];
	_ =	sdelay $0x4  }
0x150: {  	[tilespmem:$0x28C0] =	vst v3  }
0x151: {  	[tilespmem:s12], [sflag:$0x1] =	stream.indirect.gather [hbm4b:s0+s9], $0x80, s11, s9, $0xb8;
	[tilespmem:$0x1F840] =	vst v63  }
0x152: {  	_ =	swait.ge [sflag:s13], $0x2800  }
0x153: {  	[sflag:s13] =	ssyncset.done $0x0  }
0x154: {  	[sflag:s13] =	ssyncadd.s32 $0xFFFFD800  }
0x155: {  	[spmem:s7] =	stream.indirect.scatter.add.f32 [tilespmem:s12], [sflag:$0x2], $0x80, s14, s9, $0xb8;
	[tilespmem:$0x1F840] =	vst v63  }
0x156: {  	s25 =	sadd.s32 $0x1, s25;
	_ =	swait.ge [sflag:s29], $0x2800  }
0x157: {  	p0 =	sne.s32 s25, $0xA;
	[sflag:s29] =	ssyncset.done $0x0  }
.Ltmp5:
0x158: {  	[sflag:s29] =	ssyncadd.s32 $0xFFFFD800;
	(pc) =	sbr.rel @p0 .LBB2_8-.Ltmp5, $4  }
0x159: {  	[spmem:s8] =	stream.indirect.scatter.add.f32 [tilespmem:s28], [sflag:$0x2], $0x1, s14, s9, $0xb8;
	[tilespmem:$0x1F840] =	vst v63  }
0x15a: {  	_ =	swait.ge [sflag:s29], $0x50  }
0x15b: {  	[sflag:s29] =	ssyncset.done $0x0  }
0x15c: {  	[sflag:s29] =	ssyncadd.s32 $0xFFFFFFB0  }
0x15d: {  	[bflag:$0x0] =	sbarrier.arrive $0xFFFF  }
0x15e: {  	s10 =	rddreg [dreg:$0xc]  }
0x15f: {  	[hbm:s10], [sflag:s18] =	dma.local [spmem:s22], $0x3200  }
0x160: {  	_ =	swait.ge [sflag:s29], $0x3200  }
0x161: {  	[sflag:s29] =	ssyncset.done $0x0  }
0x162: {  	s20 =	rddreg [dreg:$0x14];
	[sflag:s29] =	ssyncadd.s32 $0xFFFFCE00  }
0x163: {  	[tilespmem:s30], [sflag:$0x2] =	stream.linear.gather [spmem:s20], $0x320, $0x38;
	[tilespmem:$0x1F840] =	vst v63  }
0x164: {  	_ =	swait.ge [sflag:s29], $0x320  }
0x165: {  	[sflag:s29] =	ssyncset.done $0x0  }
0x166: {  	s23 =	simm.s32 $0x0;
	s21 =	rddreg [dreg:$0xd];
	[sflag:s29] =	ssyncadd.s32 $0xFFFFFCE0  }
0x167: {  	[hbm4b:s21+s23] =	stream.linear.scatter [tilespmem:s30], [sflag:$0x2], $0x320, $0x38;
	[tilespmem:$0x1F840] =	vst v63  }
0x168: {  	_ =	swait.ge [sflag:s29], $0x320  }
0x169: {  	[sflag:s29] =	ssyncset.done $0x0  }
0x16a: {  	s24 =	rddreg [dreg:$0x10];
	[sflag:s29] =	ssyncadd.s32 $0xFFFFFCE0  }
0x16b: {  	[spmem:s22], [sflag:s18] =	dma.local [hbm:s24], $0x3200  }
0x16c: {  	_ =	swait.ge [sflag:s29], $0x3200  }
0x16d: {  	[sflag:s29] =	ssyncset.done $0x0  }
0x16e: {  	s25 =	rddreg [dreg:$0x11];
	[sflag:s29] =	ssyncadd.s32 $0xFFFFCE00  }
0x16f: {  	[tilespmem:s30], [sflag:$0x2] =	stream.linear.gather [hbm4b:s25+s23], $0x380, $0x38;
	[tilespmem:$0x1F840] =	vst v63  }
0x170: {  	_ =	swait.ge [sflag:s29], $0x380  }
0x171: {  	[sflag:s29] =	ssyncset.done $0x0  }
0x172: {  	[sflag:s29] =	ssyncadd.s32 $0xFFFFFC80  }
0x173: {  	[spmem:s20] =	stream.linear.scatter [tilespmem:s30], [sflag:$0x2], $0x320, $0x38;
	[tilespmem:$0x1F840] =	vst v63  }
0x174: {  	_ =	swait.ge [sflag:s29], $0x320  }
0x175: {  	[sflag:s29] =	ssyncset.done $0x0  }
0x176: {  	[sflag:s29] =	ssyncadd.s32 $0xFFFFFCE0  }
0x177: {  	s25 =	simm.s32 $0x0;
	[bflag:$0x0] =	sbarrier.arrive $0xFFFF  }
.LBB2_14:
0x178: {  	s10 =	smul.u32 $0x7D0, s25;
	_ =	sdelay $0x1  }
0x179: {  	s10 =	sadd.s32 s10, s15  }
0x17a: {  	s10 =	sshrl.u32 s10, $0x3  }
0x17b: {  	s20 =	sadd.s32 s5, s10  }
0x17c: {  	[tilespmem:s23], [sflag:$0x2] =	stream.linear.gather [hbm4b:s20+s23], $0x7D0, $0x38;
	[tilespmem:$0x1F840] =	vst v63  }
0x17d: {  	_ =	swait.ge [sflag:s29], $0x7D0  }
0x17e: {  	[sflag:s29] =	ssyncset.done $0x0  }
0x17f: {  	s24 =	sadd.s32 s6, s10;
	[sflag:s29] =	ssyncadd.s32 $0xFFFFF830  }
0x180: {  	[tilespmem:s31], [sflag:$0x2] =	stream.linear.gather [hbm4b:s24+s23], $0x7D0, $0x38;
	[tilespmem:$0x1F840] =	vst v63  }
0x181: {  	_ =	swait.ge [sflag:s29], $0x7D0  }
0x182: {  	[sflag:s29] =	ssyncset.done $0x0  }
0x183: {  	s10 =	sadd.s32 s19, s10;
	[sflag:s29] =	ssyncadd.s32 $0xFFFFF830  }
0x184: {  	[tilespmem:s3], [sflag:$0x2] =	stream.linear.gather [hbm4b:s10+s23], $0x7D0, $0x38;
	[tilespmem:$0x1F840] =	vst v63  }
0x185: {  	_ =	swait.ge [sflag:s29], $0x7D0  }
0x186: {  	[sflag:s29] =	ssyncset.done $0x0  }
0x187: {  	s20 =	simm.s32 $0x0;
	[sflag:s29] =	ssyncadd.s32 $0xFFFFF830  }
0x188: {  	v6 =	vld [tilespmem:s20+$0x0]  }
0x189: {  	v7 =	vld [tilespmem:s20+$0x800]  }
0x18a: {  	v4 =	vld [tilespmem:s20+$0x1000];
	_ =	sdelay $0x2  }
0x18b: {  	s10 =	simm.s32 $0x10  }
0x18c: {  	v3 =	vld [tilespmem:s10+$0x0]  }
0x18d: {  	vm0 =	vlt.u32 v7, $0x3200;
	vm1 =	vgt.f32 v4, $5.000000000e-01;
	v5 =	vand.u32 $0x1FF, v6;
	v4 =	vld [tilespmem:s10+$0x800]  }
0x18e: {  	vm0 =	vmand vm0, vm1;
	v8 =	vor.u32 $0x3200, v5;
	v5 =	vld [tilespmem:s10+$0x1000]  }
0x18f: {  	v7 =	vsel vm0, v7, v8  }
0x190: {  	s21 =	simm.s32 $0x80;
	v6 =	vnsel vm0, $0x0, v6;
	[tilespmem:s20+$0x2000] =	vst v7  }
.LBB2_15:
0x191: {  	[tilespmem:s20+$0x1800] =	vst v6;
	v6 =	vmov v3;
	s20 =	smov.u32 s10;
	s10 =	sshra.s32 s21, $0x2;
	p0 =	sne.s32 s21, $0x1F00  }
.Ltmp6:
0x192: {  	v3 =	vld [tilespmem:s10+$0x0];
	v7 =	vmov v4;
	(pc) =	sbr.rel @p0 .LBB2_15-.Ltmp6, $4  }
0x193: {  	s21 =	sadd.s32 $0x40, s21;
	v8 =	vand.u32 $0x1FF, v6;
	v4 =	vld [tilespmem:s10+$0x800];
	vm0 =	vlt.u32 v7, $0x3200;
	vm1 =	vgt.f32 v5, $5.000000000e-01  }
0x194: {  	v8 =	vor.u32 $0x3200, v8;
	v5 =	vld [tilespmem:s10+$0x1000];
	vm0 =	vmand vm0, vm1  }
0x195: {  	v6 =	vnsel vm0, $0x0, v6;
	v7 =	vsel vm0, v7, v8  }
0x196: {  	[tilespmem:s20+$0x2000] =	vst v7  }
0x197: {  	_ =	sdelay $0x1  }
0x198: {  	v62 =	vand.u32 $0x1FF, v3;
	vm0 =	vlt.u32 v4, $0x3200;
	vm1 =	vgt.f32 v5, $5.000000000e-01  }
0x199: {  	v5 =	vor.u32 $0x3200, v62;
	vm0 =	vmand vm0, vm1  }
0x19a: {  	[tilespmem:s20+$0x1800] =	vst v6;
	v63 =	vsel vm0, v4, v5  }
0x19b: {  	v3 =	vnsel vm0, $0x0, v3;
	[tilespmem:s10+$0x2000] =	vst v63  }
0x19c: {  	s24 =	simm.s32 $0x0;
	[tilespmem:s10+$0x1800] =	vst v3  }
0x19d: {  	v3 =	vld [tilespmem:s24+$0x1800];
	_ =	sdelay $0x4  }
0x19e: {  	[tilespmem:$0x2800] =	vst v3  }
0x19f: {  	v3 =	vld [tilespmem:s24+$0x2000];
	_ =	sdelay $0x4  }
0x1a0: {  	[tilespmem:$0x2880] =	vst v3  }
0x1a1: {  	v3 =	vld [tilespmem:s24+$0x1810];
	_ =	sdelay $0x4  }
0x1a2: {  	[tilespmem:$0x2810] =	vst v3  }
0x1a3: {  	v3 =	vld [tilespmem:s24+$0x2010];
	_ =	sdelay $0x4  }
0x1a4: {  	[tilespmem:$0x2890] =	vst v3  }
0x1a5: {  	v3 =	vld [tilespmem:s24+$0x1820];
	_ =	sdelay $0x4  }
0x1a6: {  	[tilespmem:$0x2820] =	vst v3  }
0x1a7: {  	v3 =	vld [tilespmem:s24+$0x2020];
	_ =	sdelay $0x4  }
0x1a8: {  	[tilespmem:$0x28A0] =	vst v3  }
0x1a9: {  	v3 =	vld [tilespmem:s24+$0x1830];
	_ =	sdelay $0x4  }
0x1aa: {  	[tilespmem:$0x2830] =	vst v3  }
0x1ab: {  	v3 =	vld [tilespmem:s24+$0x2030];
	_ =	sdelay $0x4  }
0x1ac: {  	[tilespmem:$0x28B0] =	vst v3  }
0x1ad: {  	v3 =	vld [tilespmem:s24+$0x1840];
	_ =	sdelay $0x4  }
0x1ae: {  	[tilespmem:$0x2840] =	vst v3  }
0x1af: {  	v3 =	vld [tilespmem:s24+$0x2040];
	_ =	sdelay $0x4  }
0x1b0: {  	[tilespmem:$0x28C0] =	vst v3  }
0x1b1: {  	[tilespmem:s12], [sflag:$0x1] =	stream.indirect.gather [hbm4b:s1+s9], $0x80, s11, s9, $0xb8;
	[tilespmem:$0x1F840] =	vst v63  }
0x1b2: {  	_ =	swait.ge [sflag:s13], $0x2800  }
0x1b3: {  	[sflag:s13] =	ssyncset.done $0x0  }
0x1b4: {  	[sflag:s13] =	ssyncadd.s32 $0xFFFFD800  }
0x1b5: {  	[spmem:s7] =	stream.indirect.scatter.add.f32 [tilespmem:s12], [sflag:$0x2], $0x80, s14, s9, $0xb8;
	[tilespmem:$0x1F840] =	vst v63  }
0x1b6: {  	_ =	swait.ge [sflag:s29], $0x2800  }
0x1b7: {  	[sflag:s29] =	ssyncset.done $0x0  }
0x1b8: {  	[sflag:s29] =	ssyncadd.s32 $0xFFFFD800  }
0x1b9: {  	[spmem:s8] =	stream.indirect.scatter.add.f32 [tilespmem:s28], [sflag:$0x2], $0x1, s14, s9, $0xb8;
	[tilespmem:$0x1F840] =	vst v63  }
0x1ba: {  	_ =	swait.ge [sflag:s29], $0x50  }
0x1bb: {  	s10 =	simm.s32 $0x140;
	s24 =	simm.s32 $0x280;
	[sflag:s29] =	ssyncset.done $0x0  }
.LBB2_17:
0x1bc: {  	s21 =	sshra.s32 s10, $0x2  }
0x1bd: {  	[sflag:s29] =	ssyncadd.s32 $0xFFFFFFB0;
	s10 =	smov.u32 s24;
	s20 =	sadd.s32 $0x140, s24  }
0x1be: {  	p0 =	sne.s32 s24, $0x1E00;
	v3 =	vld [tilespmem:s21+$0x1800];
	_ =	sdelay $0x4  }
0x1bf: {  	[tilespmem:$0x2800] =	vst v3  }
0x1c0: {  	v3 =	vld [tilespmem:s21+$0x2000];
	_ =	sdelay $0x4  }
0x1c1: {  	[tilespmem:$0x2880] =	vst v3  }
0x1c2: {  	v3 =	vld [tilespmem:s21+$0x1810];
	_ =	sdelay $0x4  }
0x1c3: {  	[tilespmem:$0x2810] =	vst v3  }
0x1c4: {  	v3 =	vld [tilespmem:s21+$0x2010];
	_ =	sdelay $0x4  }
0x1c5: {  	[tilespmem:$0x2890] =	vst v3  }
0x1c6: {  	v3 =	vld [tilespmem:s21+$0x1820];
	_ =	sdelay $0x4  }
0x1c7: {  	[tilespmem:$0x2820] =	vst v3  }
0x1c8: {  	v3 =	vld [tilespmem:s21+$0x2020];
	_ =	sdelay $0x4  }
0x1c9: {  	[tilespmem:$0x28A0] =	vst v3  }
0x1ca: {  	v3 =	vld [tilespmem:s21+$0x1830];
	_ =	sdelay $0x4  }
0x1cb: {  	[tilespmem:$0x2830] =	vst v3  }
0x1cc: {  	v3 =	vld [tilespmem:s21+$0x2030];
	_ =	sdelay $0x4  }
0x1cd: {  	[tilespmem:$0x28B0] =	vst v3  }
0x1ce: {  	v3 =	vld [tilespmem:s21+$0x1840];
	_ =	sdelay $0x4  }
0x1cf: {  	[tilespmem:$0x2840] =	vst v3  }
0x1d0: {  	v3 =	vld [tilespmem:s21+$0x2040];
	_ =	sdelay $0x4  }
0x1d1: {  	[tilespmem:$0x28C0] =	vst v3  }
0x1d2: {  	[tilespmem:s12], [sflag:$0x1] =	stream.indirect.gather [hbm4b:s1+s9], $0x80, s11, s9, $0xb8;
	[tilespmem:$0x1F840] =	vst v63  }
0x1d3: {  	_ =	swait.ge [sflag:s13], $0x2800  }
0x1d4: {  	[sflag:s13] =	ssyncset.done $0x0  }
0x1d5: {  	[sflag:s13] =	ssyncadd.s32 $0xFFFFD800  }
0x1d6: {  	[spmem:s7] =	stream.indirect.scatter.add.f32 [tilespmem:s12], [sflag:$0x2], $0x80, s14, s9, $0xb8;
	[tilespmem:$0x1F840] =	vst v63  }
0x1d7: {  	_ =	swait.ge [sflag:s29], $0x2800  }
.Ltmp7:
0x1d8: {  	[sflag:s29] =	ssyncset.done $0x0;
	(pc) =	sbr.rel @p0 .LBB2_17-.Ltmp7, $4  }
0x1d9: {  	[sflag:s29] =	ssyncadd.s32 $0xFFFFD800  }
0x1da: {  	[spmem:s8] =	stream.indirect.scatter.add.f32 [tilespmem:s28], [sflag:$0x2], $0x1, s14, s9, $0xb8;
	[tilespmem:$0x1F840] =	vst v63  }
0x1db: {  	_ =	swait.ge [sflag:s29], $0x50  }
0x1dc: {  	s24 =	smov.u32 s20;
	[sflag:s29] =	ssyncset.done $0x0  }
0x1dd: {  	s10 =	sshra.s32 s10, $0x2;
	[sflag:s29] =	ssyncadd.s32 $0xFFFFFFB0  }
0x1de: {  	v3 =	vld [tilespmem:s10+$0x1800];
	_ =	sdelay $0x4  }
0x1df: {  	[tilespmem:$0x2800] =	vst v3  }
0x1e0: {  	v3 =	vld [tilespmem:s10+$0x2000];
	_ =	sdelay $0x4  }
0x1e1: {  	[tilespmem:$0x2880] =	vst v3  }
0x1e2: {  	v3 =	vld [tilespmem:s10+$0x1810];
	_ =	sdelay $0x4  }
0x1e3: {  	[tilespmem:$0x2810] =	vst v3  }
0x1e4: {  	v3 =	vld [tilespmem:s10+$0x2010];
	_ =	sdelay $0x4  }
0x1e5: {  	[tilespmem:$0x2890] =	vst v3  }
0x1e6: {  	v3 =	vld [tilespmem:s10+$0x1820];
	_ =	sdelay $0x4  }
0x1e7: {  	[tilespmem:$0x2820] =	vst v3  }
0x1e8: {  	v3 =	vld [tilespmem:s10+$0x2020];
	_ =	sdelay $0x4  }
0x1e9: {  	[tilespmem:$0x28A0] =	vst v3  }
0x1ea: {  	v3 =	vld [tilespmem:s10+$0x1830];
	_ =	sdelay $0x4  }
0x1eb: {  	[tilespmem:$0x2830] =	vst v3  }
0x1ec: {  	v3 =	vld [tilespmem:s10+$0x2030];
	_ =	sdelay $0x4  }
0x1ed: {  	[tilespmem:$0x28B0] =	vst v3  }
0x1ee: {  	v3 =	vld [tilespmem:s10+$0x1840];
	_ =	sdelay $0x4  }
0x1ef: {  	[tilespmem:$0x2840] =	vst v3  }
0x1f0: {  	v3 =	vld [tilespmem:s10+$0x2040];
	_ =	sdelay $0x4  }
0x1f1: {  	[tilespmem:$0x28C0] =	vst v3  }
0x1f2: {  	[tilespmem:s12], [sflag:$0x1] =	stream.indirect.gather [hbm4b:s1+s9], $0x80, s11, s9, $0xb8;
	[tilespmem:$0x1F840] =	vst v63  }
0x1f3: {  	_ =	swait.ge [sflag:s13], $0x2800  }
0x1f4: {  	[sflag:s13] =	ssyncset.done $0x0  }
0x1f5: {  	[sflag:s13] =	ssyncadd.s32 $0xFFFFD800  }
0x1f6: {  	[spmem:s7] =	stream.indirect.scatter.add.f32 [tilespmem:s12], [sflag:$0x2], $0x80, s14, s9, $0xb8;
	[tilespmem:$0x1F840] =	vst v63  }
0x1f7: {  	s25 =	sadd.s32 $0x1, s25;
	_ =	swait.ge [sflag:s29], $0x2800  }
0x1f8: {  	p0 =	sne.s32 s25, $0x5;
	[sflag:s29] =	ssyncset.done $0x0  }
.Ltmp8:
0x1f9: {  	[sflag:s29] =	ssyncadd.s32 $0xFFFFD800;
	(pc) =	sbr.rel @p0 .LBB2_14-.Ltmp8, $4  }
0x1fa: {  	[spmem:s8] =	stream.indirect.scatter.add.f32 [tilespmem:s28], [sflag:$0x2], $0x1, s14, s9, $0xb8;
	[tilespmem:$0x1F840] =	vst v63  }
0x1fb: {  	_ =	swait.ge [sflag:s29], $0x50  }
0x1fc: {  	[sflag:s29] =	ssyncset.done $0x0  }
0x1fd: {  	[sflag:s29] =	ssyncadd.s32 $0xFFFFFFB0  }
0x1fe: {  	[bflag:$0x0] =	sbarrier.arrive $0xFFFF  }
0x1ff: {  	s10 =	rddreg [dreg:$0xe]  }
0x200: {  	[hbm:s10], [sflag:s18] =	dma.local [spmem:s22], $0x3200  }
0x201: {  	_ =	swait.ge [sflag:s29], $0x3200  }
0x202: {  	[sflag:s29] =	ssyncset.done $0x0  }
0x203: {  	s24 =	rddreg [dreg:$0x14];
	[sflag:s29] =	ssyncadd.s32 $0xFFFFCE00  }
0x204: {  	[tilespmem:s30], [sflag:$0x2] =	stream.linear.gather [spmem:s24], $0x320, $0x38;
	[tilespmem:$0x1F840] =	vst v63  }
0x205: {  	_ =	swait.ge [sflag:s29], $0x320  }
0x206: {  	[sflag:s29] =	ssyncset.done $0x0  }
0x207: {  	s23 =	simm.s32 $0x0;
	s22 =	rddreg [dreg:$0xf];
	[sflag:s29] =	ssyncadd.s32 $0xFFFFFCE0  }
0x208: {  	[hbm4b:s22+s23] =	stream.linear.scatter [tilespmem:s30], [sflag:$0x2], $0x320, $0x38;
	[tilespmem:$0x1F840] =	vst v63  }
0x209: {  	_ =	swait.ge [sflag:s29], $0x320  }
0x20a: {  	s16 =	sadd.s32 $0x1, s16;
	s25 =	rddreg [dreg:$0x15]  }
0x20b: {  	p0 =	sne.s32 s16, s25  }
.Ltmp9:
0x20c: {  	_ = 	snop;
	(pc) =	sbr.rel @p0 .LBB2_1-.Ltmp9, $3  }
0x20d: {  	_ =	sdelay $0x1  }
0x20e: {  	[sflag:s29] =	ssyncset.done $0x0  }
0x20f: {  	[sflag:s29] =	ssyncadd.s32 $0xFFFFFCE0  }
0x210: {  	_ =	sfence.sel $0x180000  }
0x211: {  	[bflag:$0x0] =	sbarrier.arrive $0xFFFF  }
0x212: {  	_ =	strace $0x90000047  }
0x213: {  	s0 =	stileid.u32;
	[bflag:$0x2] =	sbarrier.arrive $0xFFFF  }
0x214: {  	p0 =	sne.s32 s0, $0x0;
	s0 =	rddreg [dreg:$0x9]  }
0x215: {  	s0 =	sadd.s32 @!p0 $0x100000, s0  }
0x216: {  	[sflag:s0] =	ssyncadd.tile.s32 @!p0 $0x1;
	_ =	shalt  }
.Lfunc_end2:
_tile_overlayer_lowered:
.L_overlay_start_2:
0x217: {  	(tag) =	ssettag $0x2  }
0x218: {  	s0 =	rddreg [dreg:$0x0];
	s2 =	stileid.u32  }
0x219: {  	s1 =	rddreg [dreg:$0x1];
	p0 =	sne.s32 s2, $0x0  }
0x21a: {  	s3 =	rddreg [dreg:$0x2];
	[bflag:$0x3] =	sbarrier.arrive $0xFFFF;
	s2 =	simm.s32 @!p0 $0x1C02  }
0x21b: {  	[timem:s3], [sflag:s2] =	dma.local @!p0 [hbm:s0], s1  }
0x21c: {  	s0 =	simm.s32 @!p0 $0x2  }
0x21d: {  	_ =	swait.ge @!p0 [sflag:s0], s1  }
0x21e: {  	s1 =	ssub.s32 @!p0 $0x0, s1;
	[sflag:s0] =	ssyncset.done @!p0 $0x0  }
0x21f: {  	[sflag:s0] =	ssyncadd.s32 @!p0 s1  }
0x220: {  	[bflag:$0x3] =	sbarrier.arrive $0xFFFF  }
0x221: {  	_ =	shalt  }

</sc_bundles>
